<compile_context>
chip_gen: v7x
topology: tpu7x:2x2x1
jax: 0.10.2.dev20260603
libtpu: 0.0.44.dev20260713+nightly
codegen_flags: <defaults>
</compile_context>

<pallas_src>
import functools

import jax
import jax.numpy as jnp
from jax import lax
from jax.experimental import pallas as pl
from jax.experimental.pallas import tpu as pltpu
from jax.experimental.pallas import tpu_sc as plsc

_B = 16384
_D = 16
_C = 1000
_CPAD = 1024
_F = 8
_FD = _F * _D
_FDP = 128

_BM = 2048
_NC = 2
_NS = 16
_NW = _NC * _NS
_BW = _B // _NW
_CHUNK = 128
_NCHUNK = _BW // _CHUNK


def _coarse_body(cp_ref, x_ref, out_ref):
    cp = cp_ref[...]
    x = x_ref[...]
    cp2 = -2.0 * cp
    dots2 = lax.dot_general(cp2, x, (((1,), (1,)), ((), ())),
                            preferred_element_type=jnp.float32)
    row = lax.broadcasted_iota(jnp.int32, (_CPAD, 1), 0)
    b2p = jnp.sum(cp * cp, axis=1, keepdims=True) + jnp.where(
        row >= _C, jnp.float32(1e30), jnp.float32(0.0))
    a2 = jnp.sum(x * x, axis=1)[None, :]
    d2 = jnp.maximum((dots2 + a2) + b2p, 0.0)
    keys = (lax.bitcast_convert_type(d2, jnp.int32) & jnp.int32(~1023)) | row
    fkeys = lax.bitcast_convert_type(keys, jnp.float32)
    best = lax.bitcast_convert_type(jnp.min(fkeys, axis=0), jnp.int32)
    out_ref[0] = (best & jnp.int32(1023)).reshape(1, _BM)


@functools.cache
def _get_coarse_call(nb, off):
    return pl.pallas_call(
        _coarse_body,
        grid=(nb,),
        in_specs=[
            pl.BlockSpec((_CPAD, _D), lambda i: (0, 0)),
            pl.BlockSpec((_BM, _D), lambda i: (i + off, 0)),
        ],
        out_specs=pl.BlockSpec((1, 1, _BM), lambda i: (i, 0, 0)),
        out_shape=jax.ShapeDtypeStruct((nb, 1, _BM), jnp.int32),
    )


def _sqrt16(x):
    i = plsc.bitcast(x, jnp.int32)
    i = jnp.int32(0x5F3759DF) - (i >> 1)
    y = plsc.bitcast(i, jnp.float32)
    half_x = 0.5 * x
    for _ in range(3):
        y = y * (1.5 - half_x * y * y)
    return x * y


@functools.cache
def _get_sc_fine(nchunk, off):
    mesh = plsc.VectorSubcoreMesh(core_axis_name="c", subcore_axis_name="s",
                                  num_cores=_NC, num_subcores=_NS)
    nslot = min(3, nchunk)
    bw = nchunk * _CHUNK
    body = functools.partial(_sc_fine_body, nchunk, off)
    return pl.kernel(
        body,
        out_type=jax.ShapeDtypeStruct((_NW, 16), jnp.float32),
        mesh=mesh,
        scratch_types=[
            pltpu.VMEM((nchunk, _CHUNK), jnp.int32),
            pltpu.VMEM((bw, _D), jnp.float32),
            pltpu.VMEM((nslot, _CHUNK, _FDP), jnp.float32),
            pltpu.VMEM((16,), jnp.float32),
            *([pltpu.SemaphoreType.DMA] * nslot),
        ],
        compiler_params=pltpu.CompilerParams(needs_layout_passes=False),
    )


def _sc_fine_body(nchunk, off, feat_hbm, fine_hbm, idx_hbm, out_hbm,
                  idx_v, x_v, rows_v, acc_v, *sems):
    _NSLOT = len(sems)
    wid = lax.axis_index("s") * _NC + lax.axis_index("c")
    bw = nchunk * _CHUNK
    base = off + wid * bw

    pltpu.sync_copy(idx_hbm.at[wid], idx_v)
    pltpu.sync_copy(feat_hbm.at[pl.ds(base, bw)], x_v)

    acc_v[...] = jnp.zeros((16,), jnp.float32)
    lanes = lax.iota(jnp.int32, 16)

    def gather_chunk(j):
        return pltpu.async_copy(fine_hbm.at[idx_v.at[j]], rows_v.at[j % _NSLOT],
                                sems[j % _NSLOT])

    def compute_chunk(j, cp):
        cp.wait()
        slot = j % _NSLOT

        def body(g, carry):
            r0 = g * 16
            row_idx = lanes + r0
            gbase = r0 + (j * _CHUNK)
            slot_idx = jnp.full((16,), slot, jnp.int32)
            zero = jnp.zeros((16,), jnp.float32)

            grow = lanes + gbase

            def dbody(dh, accs):
                out = list(accs)
                for du in range(2):
                    d = dh * 2 + du
                    e = (jnp.broadcast_to(d, (16,)) + lanes) & (_D - 1)
                    xv = plsc.load_gather(x_v, [grow, e])
                    for f in range(_F):
                        col = e + (f * _D)
                        fv = plsc.load_gather(rows_v, [slot_idx, row_idx, col])
                        dd = xv - fv
                        out[f] = out[f] + dd * dd
                return tuple(out)

            acc_f = lax.fori_loop(0, _D // 2, dbody, (zero,) * _F)

            m = acc_f[0]
            for f in range(1, _F):
                m = jnp.minimum(m, acc_f[f])
            acc_v[...] = acc_v[...] + _sqrt16(m)
            return carry

        lax.fori_loop(0, _CHUNK // 16, body, 0)

    cps = [gather_chunk(j) for j in range(min(_NSLOT, nchunk))]
    for j in range(nchunk):
        compute_chunk(j, cps[j])
        if j + _NSLOT < nchunk:
            cps.append(gather_chunk(j + _NSLOT))

    pltpu.sync_copy(acc_v, out_hbm.at[wid])


def kernel(features, coarse_prototypes, fine_prototypes):
    cp_pad = jnp.zeros((_CPAD, _D), jnp.float32)
    cp_pad = cp_pad.at[:_C].set(coarse_prototypes)
    fine_flat = fine_prototypes.reshape(_C, _FD)

    half = _B // 2
    nb = half // _BM
    nchunk_h = half // _NW // _CHUNK
    idxs = [
        _get_coarse_call(nb, h * nb)(cp_pad, features)
        .reshape(_NW, nchunk_h, _CHUNK)
        for h in range(2)
    ]
    parts = [
        _get_sc_fine(nchunk_h, h * half)(features, fine_flat, idxs[h])
        for h in range(2)
    ]
    return (jnp.sum(parts[0]) + jnp.sum(parts[1])) / jnp.float32(_B)

# --- scband reference (transcript-rebuilt; emitter-appended) ---
"""Pipeline reference for scband-prototype-alignment-loss-57578331570273 (READ-ONLY COPY).

The authoritative reference and input builder live on the scoring server;
editing this copy changes nothing except your own understanding.
"""

import jax, jax.numpy as jnp
import numpy as np


def _cdist(a, b):
    # Euclidean distance matrix, matching torch.cdist(p=2)
    a2 = jnp.sum(a * a, axis=-1)
    b2 = jnp.sum(b * b, axis=-1)
    d2 = a2[:, None] + b2[None, :] - 2.0 * (a @ b.T)
    return jnp.sqrt(jnp.maximum(d2, 0.0))


def setup_inputs(seed: int = 0) -> dict:
    key = jax.random.key(seed)
    k1, k2, k3 = jax.random.split(key, 3)
    features = jax.random.normal(k1, (16384, 16), dtype=jnp.float32)
    coarse_prototypes = jax.random.normal(k2, (1000, 16), dtype=jnp.float32)
    fine_prototypes = jax.random.normal(k3, (1000, 8, 16), dtype=jnp.float32)
    return {
        "features": features,
        "coarse_prototypes": coarse_prototypes,
        "fine_prototypes": fine_prototypes,
    }


def reference(features, coarse_prototypes, fine_prototypes):
    # Vectorized forward of PrototypeAlignmentLoss with a dense hierarchical
    # prototype memory: every coarse cluster has a non-empty fine-prototype set,
    # stored as fine_prototypes[num_coarse, num_fine, d].
    coarse_distances = _cdist(features, coarse_prototypes)          # [B, C]
    closest_coarse = jnp.argmin(coarse_distances, axis=1)           # [B]
    # gather the fine prototypes of each sample's closest coarse cluster
    fp = jnp.take(fine_prototypes, closest_coarse, axis=0)          # [B, F, d]
    diff = features[:, None, :] - fp                                # [B, F, d]
    fine_distances = jnp.sqrt(jnp.maximum(jnp.sum(diff * diff, axis=-1), 0.0))  # [B, F]
    losses = jnp.min(fine_distances, axis=1)                        # [B]
    return jnp.mean(losses)

if __name__ == "__main__":
    import jax
    _d = setup_inputs()
    print(jax.jit(kernel)(*tuple(_d.values())))

</pallas_src>

<mosaic_0001>
#map = affine_map<(d0, d1) -> (0, 0)>
#map1 = affine_map<(d0, d1) -> (0, 0, 0)>
module attributes {stable_mosaic.version = 14 : i64} {
  func.func @_sc_fine_body(%arg0: i32, %arg1: i32, %arg2: memref<16384x16xf32, #tpu.memory_space<hbm>>, %arg3: memref<1000x128xf32, #tpu.memory_space<hbm>>, %arg4: memref<32x2x128xi32, #tpu.memory_space<hbm>>, %arg5: memref<32x16xf32, #tpu.memory_space<hbm>>, %arg6: memref<2x128xi32, #tpu.memory_space<vmem>>, %arg7: memref<256x16xf32, #tpu.memory_space<vmem>>, %arg8: memref<2x128x128xf32, #tpu.memory_space<vmem>>, %arg9: memref<16xf32, #tpu.memory_space<vmem>>, %arg10: memref<!tpu.dma_semaphore, #tpu.memory_space<semaphore_mem>>, %arg11: memref<!tpu.dma_semaphore, #tpu.memory_space<semaphore_mem>>) attributes {dimension_semantics = [#tpu.dimension_semantics<core_parallel>, #tpu.dimension_semantics<subcore_parallel>], iteration_bounds = array<i64: 2, 16>, scalar_prefetch = 0 : i64, scratch_operands = 6 : i64, tpu.core_type = #tpu.core_type<sc_vector_subcore>, window_params = [{transform_indices = #map}, {transform_indices = #map}, {transform_indices = #map1}, {transform_indices = #map}]} {
    %mul3A = arith.constant 2 : i32
    %mul3A_0 = arith.muli %arg1, %mul3A : i32
    %add3A = arith.addi %mul3A_0, %arg0 : i32
    %mul3A_1 = arith.constant 256 : i32
    %mul3A_2 = arith.muli %add3A, %mul3A_1 : i32
    %add3A_3 = arith.constant 8192 : i32
    %add3A_4 = arith.addi %add3A_3, %mul3A_2 : i32
    "tpu.region"() ({
      %run_scoped3A = tpu.sem_alloc : memref<!tpu.dma_semaphore, #tpu.memory_space<semaphore_mem>>
      %dma_start3A_64 = arith.constant 0 : i32
      %dma_start3A_65 = arith.constant 0 : i32
      %dma_start3A_66 = tpu.memref_slice %arg4[%add3A, %dma_start3A_64, %dma_start3A_65] : memref<32x2x128xi32, #tpu.memory_space<hbm>> -> memref<1x2x128xi32, #tpu.memory_space<hbm>>
      %dma_start3A_67 = tpu.memref_squeeze %dma_start3A_66 : memref<1x2x128xi32, #tpu.memory_space<hbm>> -> memref<2x128xi32, #tpu.memory_space<hbm>>
      %dma_start3A_68 = arith.constant 0 : i32
      %dma_start3A_69 = arith.constant 0 : i32
      %dma_start3A_70 = tpu.memref_slice %arg4[%add3A, %dma_start3A_68, %dma_start3A_69] : memref<32x2x128xi32, #tpu.memory_space<hbm>> -> memref<1x2x128xi32, #tpu.memory_space<hbm>>
      %dma_start3A_71 = tpu.memref_squeeze %dma_start3A_70 : memref<1x2x128xi32, #tpu.memory_space<hbm>> -> memref<2x128xi32, #tpu.memory_space<hbm>>
      tpu.enqueue_dma source(%dma_start3A_71 : memref<2x128xi32, #tpu.memory_space<hbm>>) target(%arg6 : memref<2x128xi32, #tpu.memory_space<vmem>>) target_semaphore(%run_scoped3A : memref<!tpu.dma_semaphore, #tpu.memory_space<semaphore_mem>>)
      %dma_wait3A_72 = arith.constant 0 : i32
      %dma_wait3A_73 = arith.constant 0 : i32
      %dma_wait3A_74 = tpu.memref_slice %arg4[%add3A, %dma_wait3A_72, %dma_wait3A_73] : memref<32x2x128xi32, #tpu.memory_space<hbm>> -> memref<1x2x128xi32, #tpu.memory_space<hbm>>
      %dma_wait3A_75 = tpu.memref_squeeze %dma_wait3A_74 : memref<1x2x128xi32, #tpu.memory_space<hbm>> -> memref<2x128xi32, #tpu.memory_space<hbm>>
      %dma_wait3A_76 = arith.constant 0 : i32
      %dma_wait3A_77 = arith.constant 0 : i32
      %dma_wait3A_78 = tpu.memref_slice %arg4[%add3A, %dma_wait3A_76, %dma_wait3A_77] : memref<32x2x128xi32, #tpu.memory_space<hbm>> -> memref<1x2x128xi32, #tpu.memory_space<hbm>>
      %dma_wait3A_79 = tpu.memref_squeeze %dma_wait3A_78 : memref<1x2x128xi32, #tpu.memory_space<hbm>> -> memref<2x128xi32, #tpu.memory_space<hbm>>
      tpu.wait_dma2 semaphore(%run_scoped3A : memref<!tpu.dma_semaphore, #tpu.memory_space<semaphore_mem>>) src(%dma_wait3A_79 : memref<2x128xi32, #tpu.memory_space<hbm>>) dst(%arg6 : memref<2x128xi32, #tpu.memory_space<vmem>>)
      tpu.yield
    }) : () -> ()
    "tpu.region"() ({
      %run_scoped3A = tpu.sem_alloc : memref<!tpu.dma_semaphore, #tpu.memory_space<semaphore_mem>>
      %dma_start3A_64 = arith.constant 0 : i32
      %dma_start3A_65 = tpu.memref_slice %arg2[%add3A_4, %dma_start3A_64] : memref<16384x16xf32, #tpu.memory_space<hbm>> -> memref<256x16xf32, #tpu.memory_space<hbm>>
      %dma_start3A_66 = arith.constant 0 : i32
      %dma_start3A_67 = tpu.memref_slice %arg2[%add3A_4, %dma_start3A_66] : memref<16384x16xf32, #tpu.memory_space<hbm>> -> memref<256x16xf32, #tpu.memory_space<hbm>>
      tpu.enqueue_dma source(%dma_start3A_67 : memref<256x16xf32, #tpu.memory_space<hbm>>) target(%arg7 : memref<256x16xf32, #tpu.memory_space<vmem>>) target_semaphore(%run_scoped3A : memref<!tpu.dma_semaphore, #tpu.memory_space<semaphore_mem>>)
      %dma_wait3A_68 = arith.constant 0 : i32
      %dma_wait3A_69 = tpu.memref_slice %arg2[%add3A_4, %dma_wait3A_68] : memref<16384x16xf32, #tpu.memory_space<hbm>> -> memref<256x16xf32, #tpu.memory_space<hbm>>
      %dma_wait3A_70 = arith.constant 0 : i32
      %dma_wait3A_71 = tpu.memref_slice %arg2[%add3A_4, %dma_wait3A_70] : memref<16384x16xf32, #tpu.memory_space<hbm>> -> memref<256x16xf32, #tpu.memory_space<hbm>>
      tpu.wait_dma2 semaphore(%run_scoped3A : memref<!tpu.dma_semaphore, #tpu.memory_space<semaphore_mem>>) src(%dma_wait3A_71 : memref<256x16xf32, #tpu.memory_space<hbm>>) dst(%arg7 : memref<256x16xf32, #tpu.memory_space<vmem>>)
      tpu.yield
    }) : () -> ()
    %broadcast_in_dim3A = arith.constant 0.000000e+00 : f32
    %broadcast_in_dim3A_5 = vector.broadcast %broadcast_in_dim3A : f32 to vector<16xf32>
    %swap3A = arith.constant 0 : index
    %swap3A_6 = tpu.vector_load %arg9[%swap3A] {strides = array<i32>} : memref<16xf32, #tpu.memory_space<vmem>>, vector<16xf32>,
    tpu.vector_store %arg9[%swap3A], %broadcast_in_dim3A_5 {strides = array<i32>} : memref<16xf32, #tpu.memory_space<vmem>>, vector<16xf32>,
    %iota3A = tpu.iota {dimensions = array<i32: 0>} : vector<16xi32>
    %dma_start3A = arith.constant 0 : i32
    %dma_start3A_7 = arith.constant 0 : i32
    %dma_start3A_8 = arith.constant 0 : i32
    %dma_start3A_9 = arith.constant 0 : i32
    %dma_start3A_10 = tpu.memref_slice %arg8[%dma_start3A_7, %dma_start3A_8, %dma_start3A_9] : memref<2x128x128xf32, #tpu.memory_space<vmem>> -> memref<1x128x128xf32, #tpu.memory_space<vmem>>
    %dma_start3A_11 = tpu.memref_squeeze %dma_start3A_10 : memref<1x128x128xf32, #tpu.memory_space<vmem>> -> memref<128x128xf32, #tpu.memory_space<vmem>>
    %dma_start3A_12 = arith.constant 0 : i32
    %dma_start3A_13 = tpu.memref_slice %arg6[%dma_start3A, %dma_start3A_12] : memref<2x128xi32, #tpu.memory_space<vmem>> -> memref<1x128xi32, #tpu.memory_space<vmem>>
    %dma_start3A_14 = tpu.memref_squeeze %dma_start3A_13 : memref<1x128xi32, #tpu.memory_space<vmem>> -> memref<128xi32, #tpu.memory_space<vmem>>
    %dma_start3A_15 = arith.constant 0 : i32
    %dma_start3A_16 = arith.constant 0 : i32
    %dma_start3A_17 = tpu.memref_slice %arg3[%dma_start3A_15, %dma_start3A_16] : memref<1000x128xf32, #tpu.memory_space<hbm>> -> memref<1000x128xf32, #tpu.memory_space<hbm>>
    tpu.enqueue_indirect_dma source(%dma_start3A_17 : memref<1000x128xf32, #tpu.memory_space<hbm>>) target(%dma_start3A_11 : memref<128x128xf32, #tpu.memory_space<vmem>>) offsets(%dma_start3A_14 : memref<128xi32, #tpu.memory_space<vmem>>) semaphore(%arg10 : memref<!tpu.dma_semaphore, #tpu.memory_space<semaphore_mem>>)
    %dma_start3A_18 = arith.constant 1 : i32
    %dma_start3A_19 = arith.constant 1 : i32
    %dma_start3A_20 = arith.constant 0 : i32
    %dma_start3A_21 = arith.constant 0 : i32
    %dma_start3A_22 = tpu.memref_slice %arg8[%dma_start3A_19, %dma_start3A_20, %dma_start3A_21] : memref<2x128x128xf32, #tpu.memory_space<vmem>> -> memref<1x128x128xf32, #tpu.memory_space<vmem>>
    %dma_start3A_23 = tpu.memref_squeeze %dma_start3A_22 : memref<1x128x128xf32, #tpu.memory_space<vmem>> -> memref<128x128xf32, #tpu.memory_space<vmem>>
    %dma_start3A_24 = arith.constant 0 : i32
    %dma_start3A_25 = tpu.memref_slice %arg6[%dma_start3A_18, %dma_start3A_24] : memref<2x128xi32, #tpu.memory_space<vmem>> -> memref<1x128xi32, #tpu.memory_space<vmem>>
    %dma_start3A_26 = tpu.memref_squeeze %dma_start3A_25 : memref<1x128xi32, #tpu.memory_space<vmem>> -> memref<128xi32, #tpu.memory_space<vmem>>
    %dma_start3A_27 = arith.constant 0 : i32
    %dma_start3A_28 = arith.constant 0 : i32
    %dma_start3A_29 = tpu.memref_slice %arg3[%dma_start3A_27, %dma_start3A_28] : memref<1000x128xf32, #tpu.memory_space<hbm>> -> memref<1000x128xf32, #tpu.memory_space<hbm>>
    tpu.enqueue_indirect_dma source(%dma_start3A_29 : memref<1000x128xf32, #tpu.memory_space<hbm>>) target(%dma_start3A_23 : memref<128x128xf32, #tpu.memory_space<vmem>>) offsets(%dma_start3A_26 : memref<128xi32, #tpu.memory_space<vmem>>) semaphore(%arg11 : memref<!tpu.dma_semaphore, #tpu.memory_space<semaphore_mem>>)
    %dma_wait3A = arith.constant 0 : i32
    %dma_wait3A_30 = arith.constant 0 : i32
    %dma_wait3A_31 = arith.constant 0 : i32
    %dma_wait3A_32 = arith.constant 0 : i32
    %dma_wait3A_33 = tpu.memref_slice %arg8[%dma_wait3A_30, %dma_wait3A_31, %dma_wait3A_32] : memref<2x128x128xf32, #tpu.memory_space<vmem>> -> memref<1x128x128xf32, #tpu.memory_space<vmem>>
    %dma_wait3A_34 = tpu.memref_squeeze %dma_wait3A_33 : memref<1x128x128xf32, #tpu.memory_space<vmem>> -> memref<128x128xf32, #tpu.memory_space<vmem>>
    %dma_wait3A_35 = arith.constant 0 : i32
    %dma_wait3A_36 = tpu.memref_slice %arg6[%dma_wait3A, %dma_wait3A_35] : memref<2x128xi32, #tpu.memory_space<vmem>> -> memref<1x128xi32, #tpu.memory_space<vmem>>
    %dma_wait3A_37 = tpu.memref_squeeze %dma_wait3A_36 : memref<1x128xi32, #tpu.memory_space<vmem>> -> memref<128xi32, #tpu.memory_space<vmem>>
    %dma_wait3A_38 = arith.constant 0 : i32
    %dma_wait3A_39 = arith.constant 0 : i32
    %dma_wait3A_40 = tpu.memref_slice %arg3[%dma_wait3A_38, %dma_wait3A_39] : memref<1000x128xf32, #tpu.memory_space<hbm>> -> memref<1000x128xf32, #tpu.memory_space<hbm>>
    tpu.wait_indirect_dma semaphore(%arg10 : memref<!tpu.dma_semaphore, #tpu.memory_space<semaphore_mem>>) src(%dma_wait3A_40 : memref<1000x128xf32, #tpu.memory_space<hbm>>) dst(%dma_wait3A_34 : memref<128x128xf32, #tpu.memory_space<vmem>>)
    %scan3A = arith.constant 0 : i32
    %scan3A_41 = arith.constant 0 : i32
    %scan3A_42 = arith.constant 8 : i32
    %scan3A_43 = arith.addi %scan3A_41, %scan3A_42 : i32
    %scan3A_44 = arith.constant 1 : i32
    scf.for %scan3A_64 = %scan3A_41 to %scan3A_43 step %scan3A_44  : i32 {
      %mul3A_65 = arith.constant 16 : i32
      %mul3A_66 = arith.muli %scan3A_64, %mul3A_65 : i32
      %add3A_67 = vector.broadcast %mul3A_66 : i32 to vector<16xi32>
      %add3A_68 = arith.addi %iota3A, %add3A_67 : vector<16xi32>
      %add3A_69 = arith.constant 0 : i32
      %add3A_70 = arith.addi %mul3A_66, %add3A_69 : i32
      %broadcast_in_dim3A_71 = arith.constant 0 : i32
      %broadcast_in_dim3A_72 = vector.broadcast %broadcast_in_dim3A_71 : i32 to vector<16xi32>
      %broadcast_in_dim3A_73 = arith.constant 0.000000e+00 : f32
      %broadcast_in_dim3A_74 = vector.broadcast %broadcast_in_dim3A_73 : f32 to vector<16xf32>
      %add3A_75 = vector.broadcast %add3A_70 : i32 to vector<16xi32>
      %add3A_76 = arith.addi %iota3A, %add3A_75 : vector<16xi32>
      %scan3A_77 = arith.constant 0 : i32
      %scan3A_78 = arith.constant 8 : i32
      %scan3A_79 = arith.addi %scan3A_77, %scan3A_78 : i32
      %scan3A_80 = arith.constant 1 : i32
      %scan3A_81:8 = scf.for %scan3A_120 = %scan3A_77 to %scan3A_79 step %scan3A_80 iter_args(%scan3A_121 = %broadcast_in_dim3A_74, %scan3A_122 = %broadcast_in_dim3A_74, %scan3A_123 = %broadcast_in_dim3A_74, %scan3A_124 = %broadcast_in_dim3A_74, %scan3A_125 = %broadcast_in_dim3A_74, %scan3A_126 = %broadcast_in_dim3A_74, %scan3A_127 = %broadcast_in_dim3A_74, %scan3A_128 = %broadcast_in_dim3A_74) -> (vector<16xf32>, vector<16xf32>, vector<16xf32>, vector<16xf32>, vector<16xf32>, vector<16xf32>, vector<16xf32>, vector<16xf32>)  : i32 {
        %mul3A_129 = arith.constant 2 : i32
        %mul3A_130 = arith.muli %scan3A_120, %mul3A_129 : i32
        %add3A_131 = arith.constant 0 : i32
        %add3A_132 = arith.addi %mul3A_130, %add3A_131 : i32
        %broadcast_in_dim3A_133 = vector.broadcast %add3A_132 : i32 to vector<16xi32>
        %add3A_134 = arith.addi %broadcast_in_dim3A_133, %iota3A : vector<16xi32>
        %and3A = arith.constant 15 : i32
        %and3A_135 = vector.broadcast %and3A : i32 to vector<16xi32>
        %and3A_136 = arith.andi %add3A_134, %and3A_135 : vector<16xi32>
        %gather3A = tpu.vector_load_idx %arg7[%add3A_76, %and3A_136] : memref<256x16xf32, #tpu.memory_space<vmem>>[vector<16xi32>, vector<16xi32>], vector<16xf32>,
        %add3A_137 = arith.constant 0 : i32
        %add3A_138 = vector.broadcast %add3A_137 : i32 to vector<16xi32>
        %add3A_139 = arith.addi %and3A_136, %add3A_138 : vector<16xi32>
        %gather3A_140 = tpu.vector_load_idx %arg8[%broadcast_in_dim3A_72, %add3A_68, %add3A_139] : memref<2x128x128xf32, #tpu.memory_space<vmem>>[vector<16xi32>, vector<16xi32>, vector<16xi32>], vector<16xf32>,
        %sub3A_141 = arith.subf %gather3A, %gather3A_140 : vector<16xf32>
        %mul3A_142 = arith.mulf %sub3A_141, %sub3A_141 : vector<16xf32>
        %add3A_143 = arith.addf %scan3A_121, %mul3A_142 : vector<16xf32>
        %add3A_144 = arith.constant 16 : i32
        %add3A_145 = vector.broadcast %add3A_144 : i32 to vector<16xi32>
        %add3A_146 = arith.addi %and3A_136, %add3A_145 : vector<16xi32>
        %gather3A_147 = tpu.vector_load_idx %arg8[%broadcast_in_dim3A_72, %add3A_68, %add3A_146] : memref<2x128x128xf32, #tpu.memory_space<vmem>>[vector<16xi32>, vector<16xi32>, vector<16xi32>], vector<16xf32>,
        %sub3A_148 = arith.subf %gather3A, %gather3A_147 : vector<16xf32>
        %mul3A_149 = arith.mulf %sub3A_148, %sub3A_148 : vector<16xf32>
        %add3A_150 = arith.addf %scan3A_122, %mul3A_149 : vector<16xf32>
        %add3A_151 = arith.constant 32 : i32
        %add3A_152 = vector.broadcast %add3A_151 : i32 to vector<16xi32>
        %add3A_153 = arith.addi %and3A_136, %add3A_152 : vector<16xi32>
        %gather3A_154 = tpu.vector_load_idx %arg8[%broadcast_in_dim3A_72, %add3A_68, %add3A_153] : memref<2x128x128xf32, #tpu.memory_space<vmem>>[vector<16xi32>, vector<16xi32>, vector<16xi32>], vector<16xf32>,
        %sub3A_155 = arith.subf %gather3A, %gather3A_154 : vector<16xf32>
        %mul3A_156 = arith.mulf %sub3A_155, %sub3A_155 : vector<16xf32>
        %add3A_157 = arith.addf %scan3A_123, %mul3A_156 : vector<16xf32>
        %add3A_158 = arith.constant 48 : i32
        %add3A_159 = vector.broadcast %add3A_158 : i32 to vector<16xi32>
        %add3A_160 = arith.addi %and3A_136, %add3A_159 : vector<16xi32>
        %gather3A_161 = tpu.vector_load_idx %arg8[%broadcast_in_dim3A_72, %add3A_68, %add3A_160] : memref<2x128x128xf32, #tpu.memory_space<vmem>>[vector<16xi32>, vector<16xi32>, vector<16xi32>], vector<16xf32>,
        %sub3A_162 = arith.subf %gather3A, %gather3A_161 : vector<16xf32>
        %mul3A_163 = arith.mulf %sub3A_162, %sub3A_162 : vector<16xf32>
        %add3A_164 = arith.addf %scan3A_124, %mul3A_163 : vector<16xf32>
        %add3A_165 = arith.constant 64 : i32
        %add3A_166 = vector.broadcast %add3A_165 : i32 to vector<16xi32>
        %add3A_167 = arith.addi %and3A_136, %add3A_166 : vector<16xi32>
        %gather3A_168 = tpu.vector_load_idx %arg8[%broadcast_in_dim3A_72, %add3A_68, %add3A_167] : memref<2x128x128xf32, #tpu.memory_space<vmem>>[vector<16xi32>, vector<16xi32>, vector<16xi32>], vector<16xf32>,
        %sub3A_169 = arith.subf %gather3A, %gather3A_168 : vector<16xf32>
        %mul3A_170 = arith.mulf %sub3A_169, %sub3A_169 : vector<16xf32>
        %add3A_171 = arith.addf %scan3A_125, %mul3A_170 : vector<16xf32>
        %add3A_172 = arith.constant 80 : i32
        %add3A_173 = vector.broadcast %add3A_172 : i32 to vector<16xi32>
        %add3A_174 = arith.addi %and3A_136, %add3A_173 : vector<16xi32>
        %gather3A_175 = tpu.vector_load_idx %arg8[%broadcast_in_dim3A_72, %add3A_68, %add3A_174] : memref<2x128x128xf32, #tpu.memory_space<vmem>>[vector<16xi32>, vector<16xi32>, vector<16xi32>], vector<16xf32>,
        %sub3A_176 = arith.subf %gather3A, %gather3A_175 : vector<16xf32>
        %mul3A_177 = arith.mulf %sub3A_176, %sub3A_176 : vector<16xf32>
        %add3A_178 = arith.addf %scan3A_126, %mul3A_177 : vector<16xf32>
        %add3A_179 = arith.constant 96 : i32
        %add3A_180 = vector.broadcast %add3A_179 : i32 to vector<16xi32>
        %add3A_181 = arith.addi %and3A_136, %add3A_180 : vector<16xi32>
        %gather3A_182 = tpu.vector_load_idx %arg8[%broadcast_in_dim3A_72, %add3A_68, %add3A_181] : memref<2x128x128xf32, #tpu.memory_space<vmem>>[vector<16xi32>, vector<16xi32>, vector<16xi32>], vector<16xf32>,
        %sub3A_183 = arith.subf %gather3A, %gather3A_182 : vector<16xf32>
        %mul3A_184 = arith.mulf %sub3A_183, %sub3A_183 : vector<16xf32>
        %add3A_185 = arith.addf %scan3A_127, %mul3A_184 : vector<16xf32>
        %add3A_186 = arith.constant 112 : i32
        %add3A_187 = vector.broadcast %add3A_186 : i32 to vector<16xi32>
        %add3A_188 = arith.addi %and3A_136, %add3A_187 : vector<16xi32>
        %gather3A_189 = tpu.vector_load_idx %arg8[%broadcast_in_dim3A_72, %add3A_68, %add3A_188] : memref<2x128x128xf32, #tpu.memory_space<vmem>>[vector<16xi32>, vector<16xi32>, vector<16xi32>], vector<16xf32>,
        %sub3A_190 = arith.subf %gather3A, %gather3A_189 : vector<16xf32>
        %mul3A_191 = arith.mulf %sub3A_190, %sub3A_190 : vector<16xf32>
        %add3A_192 = arith.addf %scan3A_128, %mul3A_191 : vector<16xf32>
        %mul3A_193 = arith.constant 2 : i32
        %mul3A_194 = arith.muli %scan3A_120, %mul3A_193 : i32
        %add3A_195 = arith.constant 1 : i32
        %add3A_196 = arith.addi %mul3A_194, %add3A_195 : i32
        %broadcast_in_dim3A_197 = vector.broadcast %add3A_196 : i32 to vector<16xi32>
        %add3A_198 = arith.addi %broadcast_in_dim3A_197, %iota3A : vector<16xi32>
        %and3A_199 = arith.constant 15 : i32
        %and3A_200 = vector.broadcast %and3A_199 : i32 to vector<16xi32>
        %and3A_201 = arith.andi %add3A_198, %and3A_200 : vector<16xi32>
        %gather3A_202 = tpu.vector_load_idx %arg7[%add3A_76, %and3A_201] : memref<256x16xf32, #tpu.memory_space<vmem>>[vector<16xi32>, vector<16xi32>], vector<16xf32>,
        %add3A_203 = arith.constant 0 : i32
        %add3A_204 = vector.broadcast %add3A_203 : i32 to vector<16xi32>
        %add3A_205 = arith.addi %and3A_201, %add3A_204 : vector<16xi32>
        %gather3A_206 = tpu.vector_load_idx %arg8[%broadcast_in_dim3A_72, %add3A_68, %add3A_205] : memref<2x128x128xf32, #tpu.memory_space<vmem>>[vector<16xi32>, vector<16xi32>, vector<16xi32>], vector<16xf32>,
        %sub3A_207 = arith.subf %gather3A_202, %gather3A_206 : vector<16xf32>
        %mul3A_208 = arith.mulf %sub3A_207, %sub3A_207 : vector<16xf32>
        %add3A_209 = arith.addf %add3A_143, %mul3A_208 : vector<16xf32>
        %add3A_210 = arith.constant 16 : i32
        %add3A_211 = vector.broadcast %add3A_210 : i32 to vector<16xi32>
        %add3A_212 = arith.addi %and3A_201, %add3A_211 : vector<16xi32>
        %gather3A_213 = tpu.vector_load_idx %arg8[%broadcast_in_dim3A_72, %add3A_68, %add3A_212] : memref<2x128x128xf32, #tpu.memory_space<vmem>>[vector<16xi32>, vector<16xi32>, vector<16xi32>], vector<16xf32>,
        %sub3A_214 = arith.subf %gather3A_202, %gather3A_213 : vector<16xf32>
        %mul3A_215 = arith.mulf %sub3A_214, %sub3A_214 : vector<16xf32>
        %add3A_216 = arith.addf %add3A_150, %mul3A_215 : vector<16xf32>
        %add3A_217 = arith.constant 32 : i32
        %add3A_218 = vector.broadcast %add3A_217 : i32 to vector<16xi32>
        %add3A_219 = arith.addi %and3A_201, %add3A_218 : vector<16xi32>
        %gather3A_220 = tpu.vector_load_idx %arg8[%broadcast_in_dim3A_72, %add3A_68, %add3A_219] : memref<2x128x128xf32, #tpu.memory_space<vmem>>[vector<16xi32>, vector<16xi32>, vector<16xi32>], vector<16xf32>,
        %sub3A_221 = arith.subf %gather3A_202, %gather3A_220 : vector<16xf32>
        %mul3A_222 = arith.mulf %sub3A_221, %sub3A_221 : vector<16xf32>
        %add3A_223 = arith.addf %add3A_157, %mul3A_222 : vector<16xf32>
        %add3A_224 = arith.constant 48 : i32
        %add3A_225 = vector.broadcast %add3A_224 : i32 to vector<16xi32>
        %add3A_226 = arith.addi %and3A_201, %add3A_225 : vector<16xi32>
        %gather3A_227 = tpu.vector_load_idx %arg8[%broadcast_in_dim3A_72, %add3A_68, %add3A_226] : memref<2x128x128xf32, #tpu.memory_space<vmem>>[vector<16xi32>, vector<16xi32>, vector<16xi32>], vector<16xf32>,
        %sub3A_228 = arith.subf %gather3A_202, %gather3A_227 : vector<16xf32>
        %mul3A_229 = arith.mulf %sub3A_228, %sub3A_228 : vector<16xf32>
        %add3A_230 = arith.addf %add3A_164, %mul3A_229 : vector<16xf32>
        %add3A_231 = arith.constant 64 : i32
        %add3A_232 = vector.broadcast %add3A_231 : i32 to vector<16xi32>
        %add3A_233 = arith.addi %and3A_201, %add3A_232 : vector<16xi32>
        %gather3A_234 = tpu.vector_load_idx %arg8[%broadcast_in_dim3A_72, %add3A_68, %add3A_233] : memref<2x128x128xf32, #tpu.memory_space<vmem>>[vector<16xi32>, vector<16xi32>, vector<16xi32>], vector<16xf32>,
        %sub3A_235 = arith.subf %gather3A_202, %gather3A_234 : vector<16xf32>
        %mul3A_236 = arith.mulf %sub3A_235, %sub3A_235 : vector<16xf32>
        %add3A_237 = arith.addf %add3A_171, %mul3A_236 : vector<16xf32>
        %add3A_238 = arith.constant 80 : i32
        %add3A_239 = vector.broadcast %add3A_238 : i32 to vector<16xi32>
        %add3A_240 = arith.addi %and3A_201, %add3A_239 : vector<16xi32>
        %gather3A_241 = tpu.vector_load_idx %arg8[%broadcast_in_dim3A_72, %add3A_68, %add3A_240] : memref<2x128x128xf32, #tpu.memory_space<vmem>>[vector<16xi32>, vector<16xi32>, vector<16xi32>], vector<16xf32>,
        %sub3A_242 = arith.subf %gather3A_202, %gather3A_241 : vector<16xf32>
        %mul3A_243 = arith.mulf %sub3A_242, %sub3A_242 : vector<16xf32>
        %add3A_244 = arith.addf %add3A_178, %mul3A_243 : vector<16xf32>
        %add3A_245 = arith.constant 96 : i32
        %add3A_246 = vector.broadcast %add3A_245 : i32 to vector<16xi32>
        %add3A_247 = arith.addi %and3A_201, %add3A_246 : vector<16xi32>
        %gather3A_248 = tpu.vector_load_idx %arg8[%broadcast_in_dim3A_72, %add3A_68, %add3A_247] : memref<2x128x128xf32, #tpu.memory_space<vmem>>[vector<16xi32>, vector<16xi32>, vector<16xi32>], vector<16xf32>,
        %sub3A_249 = arith.subf %gather3A_202, %gather3A_248 : vector<16xf32>
        %mul3A_250 = arith.mulf %sub3A_249, %sub3A_249 : vector<16xf32>
        %add3A_251 = arith.addf %add3A_185, %mul3A_250 : vector<16xf32>
        %add3A_252 = arith.constant 112 : i32
        %add3A_253 = vector.broadcast %add3A_252 : i32 to vector<16xi32>
        %add3A_254 = arith.addi %and3A_201, %add3A_253 : vector<16xi32>
        %gather3A_255 = tpu.vector_load_idx %arg8[%broadcast_in_dim3A_72, %add3A_68, %add3A_254] : memref<2x128x128xf32, #tpu.memory_space<vmem>>[vector<16xi32>, vector<16xi32>, vector<16xi32>], vector<16xf32>,
        %sub3A_256 = arith.subf %gather3A_202, %gather3A_255 : vector<16xf32>
        %mul3A_257 = arith.mulf %sub3A_256, %sub3A_256 : vector<16xf32>
        %add3A_258 = arith.addf %add3A_192, %mul3A_257 : vector<16xf32>
        scf.yield %add3A_209, %add3A_216, %add3A_223, %add3A_230, %add3A_237, %add3A_244, %add3A_251, %add3A_258 : vector<16xf32>, vector<16xf32>, vector<16xf32>, vector<16xf32>, vector<16xf32>, vector<16xf32>, vector<16xf32>, vector<16xf32>
      }
      %scan3A_82 = arith.constant 8 : i32
      %min3A = arith.minimumf %scan3A_81#0, %scan3A_81#1 : vector<16xf32>
      %min3A_83 = arith.minimumf %min3A, %scan3A_81#2 : vector<16xf32>
      %min3A_84 = arith.minimumf %min3A_83, %scan3A_81#3 : vector<16xf32>
      %min3A_85 = arith.minimumf %min3A_84, %scan3A_81#4 : vector<16xf32>
      %min3A_86 = arith.minimumf %min3A_85, %scan3A_81#5 : vector<16xf32>
      %min3A_87 = arith.minimumf %min3A_86, %scan3A_81#6 : vector<16xf32>
      %min3A_88 = arith.minimumf %min3A_87, %scan3A_81#7 : vector<16xf32>
      %get3A = arith.constant 0 : index
      %get3A_89 = tpu.vector_load %arg9[%get3A] {strides = array<i32>} : memref<16xf32, #tpu.memory_space<vmem>>, vector<16xf32>,
      %bitcast3A = vector.bitcast %min3A_88 : vector<16xf32> to vector<16xi32>
      %shift_right_arithmetic3A = arith.constant 1 : i32
      %shift_right_arithmetic3A_90 = vector.broadcast %shift_right_arithmetic3A : i32 to vector<16xi32>
      %shift_right_arithmetic3A_91 = arith.shrsi %bitcast3A, %shift_right_arithmetic3A_90 : vector<16xi32>
      %sub3A = arith.constant 1597463007 : i32
      %sub3A_92 = vector.broadcast %sub3A : i32 to vector<16xi32>
      %sub3A_93 = arith.subi %sub3A_92, %shift_right_arithmetic3A_91 : vector<16xi32>
      %bitcast3A_94 = vector.bitcast %sub3A_93 : vector<16xi32> to vector<16xf32>
      %mul3A_95 = arith.constant 5.000000e-01 : f32
      %mul3A_96 = vector.broadcast %mul3A_95 : f32 to vector<16xf32>
      %mul3A_97 = arith.mulf %mul3A_96, %min3A_88 : vector<16xf32>
      %mul3A_98 = arith.mulf %mul3A_97, %bitcast3A_94 : vector<16xf32>
      %mul3A_99 = arith.mulf %mul3A_98, %bitcast3A_94 : vector<16xf32>
      %sub3A_100 = arith.constant 1.500000e+00 : f32
      %sub3A_101 = vector.broadcast %sub3A_100 : f32 to vector<16xf32>
      %sub3A_102 = arith.subf %sub3A_101, %mul3A_99 : vector<16xf32>
      %mul3A_103 = arith.mulf %bitcast3A_94, %sub3A_102 : vector<16xf32>
      %mul3A_104 = arith.mulf %mul3A_97, %mul3A_103 : vector<16xf32>
      %mul3A_105 = arith.mulf %mul3A_104, %mul3A_103 : vector<16xf32>
      %sub3A_106 = arith.constant 1.500000e+00 : f32
      %sub3A_107 = vector.broadcast %sub3A_106 : f32 to vector<16xf32>
      %sub3A_108 = arith.subf %sub3A_107, %mul3A_105 : vector<16xf32>
      %mul3A_109 = arith.mulf %mul3A_103, %sub3A_108 : vector<16xf32>
      %mul3A_110 = arith.mulf %mul3A_97, %mul3A_109 : vector<16xf32>
      %mul3A_111 = arith.mulf %mul3A_110, %mul3A_109 : vector<16xf32>
      %sub3A_112 = arith.constant 1.500000e+00 : f32
      %sub3A_113 = vector.broadcast %sub3A_112 : f32 to vector<16xf32>
      %sub3A_114 = arith.subf %sub3A_113, %mul3A_111 : vector<16xf32>
      %mul3A_115 = arith.mulf %mul3A_109, %sub3A_114 : vector<16xf32>
      %mul3A_116 = arith.mulf %min3A_88, %mul3A_115 : vector<16xf32>
      %add3A_117 = arith.addf %get3A_89, %mul3A_116 : vector<16xf32>
      %swap3A_118 = arith.constant 0 : index
      %swap3A_119 = tpu.vector_load %arg9[%swap3A_118] {strides = array<i32>} : memref<16xf32, #tpu.memory_space<vmem>>, vector<16xf32>,
      tpu.vector_store %arg9[%swap3A_118], %add3A_117 {strides = array<i32>} : memref<16xf32, #tpu.memory_space<vmem>>, vector<16xf32>,
    }
    %scan3A_45 = arith.constant 8 : i32
    %dma_wait3A_46 = arith.constant 1 : i32
    %dma_wait3A_47 = arith.constant 1 : i32
    %dma_wait3A_48 = arith.constant 0 : i32
    %dma_wait3A_49 = arith.constant 0 : i32
    %dma_wait3A_50 = tpu.memref_slice %arg8[%dma_wait3A_47, %dma_wait3A_48, %dma_wait3A_49] : memref<2x128x128xf32, #tpu.memory_space<vmem>> -> memref<1x128x128xf32, #tpu.memory_space<vmem>>
    %dma_wait3A_51 = tpu.memref_squeeze %dma_wait3A_50 : memref<1x128x128xf32, #tpu.memory_space<vmem>> -> memref<128x128xf32, #tpu.memory_space<vmem>>
    %dma_wait3A_52 = arith.constant 0 : i32
    %dma_wait3A_53 = tpu.memref_slice %arg6[%dma_wait3A_46, %dma_wait3A_52] : memref<2x128xi32, #tpu.memory_space<vmem>> -> memref<1x128xi32, #tpu.memory_space<vmem>>
    %dma_wait3A_54 = tpu.memref_squeeze %dma_wait3A_53 : memref<1x128xi32, #tpu.memory_space<vmem>> -> memref<128xi32, #tpu.memory_space<vmem>>
    %dma_wait3A_55 = arith.constant 0 : i32
    %dma_wait3A_56 = arith.constant 0 : i32
    %dma_wait3A_57 = tpu.memref_slice %arg3[%dma_wait3A_55, %dma_wait3A_56] : memref<1000x128xf32, #tpu.memory_space<hbm>> -> memref<1000x128xf32, #tpu.memory_space<hbm>>
    tpu.wait_indirect_dma semaphore(%arg11 : memref<!tpu.dma_semaphore, #tpu.memory_space<semaphore_mem>>) src(%dma_wait3A_57 : memref<1000x128xf32, #tpu.memory_space<hbm>>) dst(%dma_wait3A_51 : memref<128x128xf32, #tpu.memory_space<vmem>>)
    %scan3A_58 = arith.constant 0 : i32
    %scan3A_59 = arith.constant 0 : i32
    %scan3A_60 = arith.constant 8 : i32
    %scan3A_61 = arith.addi %scan3A_59, %scan3A_60 : i32
    %scan3A_62 = arith.constant 1 : i32
    scf.for %scan3A_64 = %scan3A_59 to %scan3A_61 step %scan3A_62  : i32 {
      %mul3A_65 = arith.constant 16 : i32
      %mul3A_66 = arith.muli %scan3A_64, %mul3A_65 : i32
      %add3A_67 = vector.broadcast %mul3A_66 : i32 to vector<16xi32>
      %add3A_68 = arith.addi %iota3A, %add3A_67 : vector<16xi32>
      %add3A_69 = arith.constant 128 : i32
      %add3A_70 = arith.addi %mul3A_66, %add3A_69 : i32
      %broadcast_in_dim3A_71 = arith.constant 1 : i32
      %broadcast_in_dim3A_72 = vector.broadcast %broadcast_in_dim3A_71 : i32 to vector<16xi32>
      %broadcast_in_dim3A_73 = arith.constant 0.000000e+00 : f32
      %broadcast_in_dim3A_74 = vector.broadcast %broadcast_in_dim3A_73 : f32 to vector<16xf32>
      %add3A_75 = vector.broadcast %add3A_70 : i32 to vector<16xi32>
      %add3A_76 = arith.addi %iota3A, %add3A_75 : vector<16xi32>
      %scan3A_77 = arith.constant 0 : i32
      %scan3A_78 = arith.constant 8 : i32
      %scan3A_79 = arith.addi %scan3A_77, %scan3A_78 : i32
      %scan3A_80 = arith.constant 1 : i32
      %scan3A_81:8 = scf.for %scan3A_120 = %scan3A_77 to %scan3A_79 step %scan3A_80 iter_args(%scan3A_121 = %broadcast_in_dim3A_74, %scan3A_122 = %broadcast_in_dim3A_74, %scan3A_123 = %broadcast_in_dim3A_74, %scan3A_124 = %broadcast_in_dim3A_74, %scan3A_125 = %broadcast_in_dim3A_74, %scan3A_126 = %broadcast_in_dim3A_74, %scan3A_127 = %broadcast_in_dim3A_74, %scan3A_128 = %broadcast_in_dim3A_74) -> (vector<16xf32>, vector<16xf32>, vector<16xf32>, vector<16xf32>, vector<16xf32>, vector<16xf32>, vector<16xf32>, vector<16xf32>)  : i32 {
        %mul3A_129 = arith.constant 2 : i32
        %mul3A_130 = arith.muli %scan3A_120, %mul3A_129 : i32
        %add3A_131 = arith.constant 0 : i32
        %add3A_132 = arith.addi %mul3A_130, %add3A_131 : i32
        %broadcast_in_dim3A_133 = vector.broadcast %add3A_132 : i32 to vector<16xi32>
        %add3A_134 = arith.addi %broadcast_in_dim3A_133, %iota3A : vector<16xi32>
        %and3A = arith.constant 15 : i32
        %and3A_135 = vector.broadcast %and3A : i32 to vector<16xi32>
        %and3A_136 = arith.andi %add3A_134, %and3A_135 : vector<16xi32>
        %gather3A = tpu.vector_load_idx %arg7[%add3A_76, %and3A_136] : memref<256x16xf32, #tpu.memory_space<vmem>>[vector<16xi32>, vector<16xi32>], vector<16xf32>,
        %add3A_137 = arith.constant 0 : i32
        %add3A_138 = vector.broadcast %add3A_137 : i32 to vector<16xi32>
        %add3A_139 = arith.addi %and3A_136, %add3A_138 : vector<16xi32>
        %gather3A_140 = tpu.vector_load_idx %arg8[%broadcast_in_dim3A_72, %add3A_68, %add3A_139] : memref<2x128x128xf32, #tpu.memory_space<vmem>>[vector<16xi32>, vector<16xi32>, vector<16xi32>], vector<16xf32>,
        %sub3A_141 = arith.subf %gather3A, %gather3A_140 : vector<16xf32>
        %mul3A_142 = arith.mulf %sub3A_141, %sub3A_141 : vector<16xf32>
        %add3A_143 = arith.addf %scan3A_121, %mul3A_142 : vector<16xf32>
        %add3A_144 = arith.constant 16 : i32
        %add3A_145 = vector.broadcast %add3A_144 : i32 to vector<16xi32>
        %add3A_146 = arith.addi %and3A_136, %add3A_145 : vector<16xi32>
        %gather3A_147 = tpu.vector_load_idx %arg8[%broadcast_in_dim3A_72, %add3A_68, %add3A_146] : memref<2x128x128xf32, #tpu.memory_space<vmem>>[vector<16xi32>, vector<16xi32>, vector<16xi32>], vector<16xf32>,
        %sub3A_148 = arith.subf %gather3A, %gather3A_147 : vector<16xf32>
        %mul3A_149 = arith.mulf %sub3A_148, %sub3A_148 : vector<16xf32>
        %add3A_150 = arith.addf %scan3A_122, %mul3A_149 : vector<16xf32>
        %add3A_151 = arith.constant 32 : i32
        %add3A_152 = vector.broadcast %add3A_151 : i32 to vector<16xi32>
        %add3A_153 = arith.addi %and3A_136, %add3A_152 : vector<16xi32>
        %gather3A_154 = tpu.vector_load_idx %arg8[%broadcast_in_dim3A_72, %add3A_68, %add3A_153] : memref<2x128x128xf32, #tpu.memory_space<vmem>>[vector<16xi32>, vector<16xi32>, vector<16xi32>], vector<16xf32>,
        %sub3A_155 = arith.subf %gather3A, %gather3A_154 : vector<16xf32>
        %mul3A_156 = arith.mulf %sub3A_155, %sub3A_155 : vector<16xf32>
        %add3A_157 = arith.addf %scan3A_123, %mul3A_156 : vector<16xf32>
        %add3A_158 = arith.constant 48 : i32
        %add3A_159 = vector.broadcast %add3A_158 : i32 to vector<16xi32>
        %add3A_160 = arith.addi %and3A_136, %add3A_159 : vector<16xi32>
        %gather3A_161 = tpu.vector_load_idx %arg8[%broadcast_in_dim3A_72, %add3A_68, %add3A_160] : memref<2x128x128xf32, #tpu.memory_space<vmem>>[vector<16xi32>, vector<16xi32>, vector<16xi32>], vector<16xf32>,
        %sub3A_162 = arith.subf %gather3A, %gather3A_161 : vector<16xf32>
        %mul3A_163 = arith.mulf %sub3A_162, %sub3A_162 : vector<16xf32>
        %add3A_164 = arith.addf %scan3A_124, %mul3A_163 : vector<16xf32>
        %add3A_165 = arith.constant 64 : i32
        %add3A_166 = vector.broadcast %add3A_165 : i32 to vector<16xi32>
        %add3A_167 = arith.addi %and3A_136, %add3A_166 : vector<16xi32>
        %gather3A_168 = tpu.vector_load_idx %arg8[%broadcast_in_dim3A_72, %add3A_68, %add3A_167] : memref<2x128x128xf32, #tpu.memory_space<vmem>>[vector<16xi32>, vector<16xi32>, vector<16xi32>], vector<16xf32>,
        %sub3A_169 = arith.subf %gather3A, %gather3A_168 : vector<16xf32>
        %mul3A_170 = arith.mulf %sub3A_169, %sub3A_169 : vector<16xf32>
        %add3A_171 = arith.addf %scan3A_125, %mul3A_170 : vector<16xf32>
        %add3A_172 = arith.constant 80 : i32
        %add3A_173 = vector.broadcast %add3A_172 : i32 to vector<16xi32>
        %add3A_174 = arith.addi %and3A_136, %add3A_173 : vector<16xi32>
        %gather3A_175 = tpu.vector_load_idx %arg8[%broadcast_in_dim3A_72, %add3A_68, %add3A_174] : memref<2x128x128xf32, #tpu.memory_space<vmem>>[vector<16xi32>, vector<16xi32>, vector<16xi32>], vector<16xf32>,
        %sub3A_176 = arith.subf %gather3A, %gather3A_175 : vector<16xf32>
        %mul3A_177 = arith.mulf %sub3A_176, %sub3A_176 : vector<16xf32>
        %add3A_178 = arith.addf %scan3A_126, %mul3A_177 : vector<16xf32>
        %add3A_179 = arith.constant 96 : i32
        %add3A_180 = vector.broadcast %add3A_179 : i32 to vector<16xi32>
        %add3A_181 = arith.addi %and3A_136, %add3A_180 : vector<16xi32>
        %gather3A_182 = tpu.vector_load_idx %arg8[%broadcast_in_dim3A_72, %add3A_68, %add3A_181] : memref<2x128x128xf32, #tpu.memory_space<vmem>>[vector<16xi32>, vector<16xi32>, vector<16xi32>], vector<16xf32>,
        %sub3A_183 = arith.subf %gather3A, %gather3A_182 : vector<16xf32>
        %mul3A_184 = arith.mulf %sub3A_183, %sub3A_183 : vector<16xf32>
        %add3A_185 = arith.addf %scan3A_127, %mul3A_184 : vector<16xf32>
        %add3A_186 = arith.constant 112 : i32
        %add3A_187 = vector.broadcast %add3A_186 : i32 to vector<16xi32>
        %add3A_188 = arith.addi %and3A_136, %add3A_187 : vector<16xi32>
        %gather3A_189 = tpu.vector_load_idx %arg8[%broadcast_in_dim3A_72, %add3A_68, %add3A_188] : memref<2x128x128xf32, #tpu.memory_space<vmem>>[vector<16xi32>, vector<16xi32>, vector<16xi32>], vector<16xf32>,
        %sub3A_190 = arith.subf %gather3A, %gather3A_189 : vector<16xf32>
        %mul3A_191 = arith.mulf %sub3A_190, %sub3A_190 : vector<16xf32>
        %add3A_192 = arith.addf %scan3A_128, %mul3A_191 : vector<16xf32>
        %mul3A_193 = arith.constant 2 : i32
        %mul3A_194 = arith.muli %scan3A_120, %mul3A_193 : i32
        %add3A_195 = arith.constant 1 : i32
        %add3A_196 = arith.addi %mul3A_194, %add3A_195 : i32
        %broadcast_in_dim3A_197 = vector.broadcast %add3A_196 : i32 to vector<16xi32>
        %add3A_198 = arith.addi %broadcast_in_dim3A_197, %iota3A : vector<16xi32>
        %and3A_199 = arith.constant 15 : i32
        %and3A_200 = vector.broadcast %and3A_199 : i32 to vector<16xi32>
        %and3A_201 = arith.andi %add3A_198, %and3A_200 : vector<16xi32>
        %gather3A_202 = tpu.vector_load_idx %arg7[%add3A_76, %and3A_201] : memref<256x16xf32, #tpu.memory_space<vmem>>[vector<16xi32>, vector<16xi32>], vector<16xf32>,
        %add3A_203 = arith.constant 0 : i32
        %add3A_204 = vector.broadcast %add3A_203 : i32 to vector<16xi32>
        %add3A_205 = arith.addi %and3A_201, %add3A_204 : vector<16xi32>
        %gather3A_206 = tpu.vector_load_idx %arg8[%broadcast_in_dim3A_72, %add3A_68, %add3A_205] : memref<2x128x128xf32, #tpu.memory_space<vmem>>[vector<16xi32>, vector<16xi32>, vector<16xi32>], vector<16xf32>,
        %sub3A_207 = arith.subf %gather3A_202, %gather3A_206 : vector<16xf32>
        %mul3A_208 = arith.mulf %sub3A_207, %sub3A_207 : vector<16xf32>
        %add3A_209 = arith.addf %add3A_143, %mul3A_208 : vector<16xf32>
        %add3A_210 = arith.constant 16 : i32
        %add3A_211 = vector.broadcast %add3A_210 : i32 to vector<16xi32>
        %add3A_212 = arith.addi %and3A_201, %add3A_211 : vector<16xi32>
        %gather3A_213 = tpu.vector_load_idx %arg8[%broadcast_in_dim3A_72, %add3A_68, %add3A_212] : memref<2x128x128xf32, #tpu.memory_space<vmem>>[vector<16xi32>, vector<16xi32>, vector<16xi32>], vector<16xf32>,
        %sub3A_214 = arith.subf %gather3A_202, %gather3A_213 : vector<16xf32>
        %mul3A_215 = arith.mulf %sub3A_214, %sub3A_214 : vector<16xf32>
        %add3A_216 = arith.addf %add3A_150, %mul3A_215 : vector<16xf32>
        %add3A_217 = arith.constant 32 : i32
        %add3A_218 = vector.broadcast %add3A_217 : i32 to vector<16xi32>
        %add3A_219 = arith.addi %and3A_201, %add3A_218 : vector<16xi32>
        %gather3A_220 = tpu.vector_load_idx %arg8[%broadcast_in_dim3A_72, %add3A_68, %add3A_219] : memref<2x128x128xf32, #tpu.memory_space<vmem>>[vector<16xi32>, vector<16xi32>, vector<16xi32>], vector<16xf32>,
        %sub3A_221 = arith.subf %gather3A_202, %gather3A_220 : vector<16xf32>
        %mul3A_222 = arith.mulf %sub3A_221, %sub3A_221 : vector<16xf32>
        %add3A_223 = arith.addf %add3A_157, %mul3A_222 : vector<16xf32>
        %add3A_224 = arith.constant 48 : i32
        %add3A_225 = vector.broadcast %add3A_224 : i32 to vector<16xi32>
        %add3A_226 = arith.addi %and3A_201, %add3A_225 : vector<16xi32>
        %gather3A_227 = tpu.vector_load_idx %arg8[%broadcast_in_dim3A_72, %add3A_68, %add3A_226] : memref<2x128x128xf32, #tpu.memory_space<vmem>>[vector<16xi32>, vector<16xi32>, vector<16xi32>], vector<16xf32>,
        %sub3A_228 = arith.subf %gather3A_202, %gather3A_227 : vector<16xf32>
        %mul3A_229 = arith.mulf %sub3A_228, %sub3A_228 : vector<16xf32>
        %add3A_230 = arith.addf %add3A_164, %mul3A_229 : vector<16xf32>
        %add3A_231 = arith.constant 64 : i32
        %add3A_232 = vector.broadcast %add3A_231 : i32 to vector<16xi32>
        %add3A_233 = arith.addi %and3A_201, %add3A_232 : vector<16xi32>
        %gather3A_234 = tpu.vector_load_idx %arg8[%broadcast_in_dim3A_72, %add3A_68, %add3A_233] : memref<2x128x128xf32, #tpu.memory_space<vmem>>[vector<16xi32>, vector<16xi32>, vector<16xi32>], vector<16xf32>,
        %sub3A_235 = arith.subf %gather3A_202, %gather3A_234 : vector<16xf32>
        %mul3A_236 = arith.mulf %sub3A_235, %sub3A_235 : vector<16xf32>
        %add3A_237 = arith.addf %add3A_171, %mul3A_236 : vector<16xf32>
        %add3A_238 = arith.constant 80 : i32
        %add3A_239 = vector.broadcast %add3A_238 : i32 to vector<16xi32>
        %add3A_240 = arith.addi %and3A_201, %add3A_239 : vector<16xi32>
        %gather3A_241 = tpu.vector_load_idx %arg8[%broadcast_in_dim3A_72, %add3A_68, %add3A_240] : memref<2x128x128xf32, #tpu.memory_space<vmem>>[vector<16xi32>, vector<16xi32>, vector<16xi32>], vector<16xf32>,
        %sub3A_242 = arith.subf %gather3A_202, %gather3A_241 : vector<16xf32>
        %mul3A_243 = arith.mulf %sub3A_242, %sub3A_242 : vector<16xf32>
        %add3A_244 = arith.addf %add3A_178, %mul3A_243 : vector<16xf32>
        %add3A_245 = arith.constant 96 : i32
        %add3A_246 = vector.broadcast %add3A_245 : i32 to vector<16xi32>
        %add3A_247 = arith.addi %and3A_201, %add3A_246 : vector<16xi32>
        %gather3A_248 = tpu.vector_load_idx %arg8[%broadcast_in_dim3A_72, %add3A_68, %add3A_247] : memref<2x128x128xf32, #tpu.memory_space<vmem>>[vector<16xi32>, vector<16xi32>, vector<16xi32>], vector<16xf32>,
        %sub3A_249 = arith.subf %gather3A_202, %gather3A_248 : vector<16xf32>
        %mul3A_250 = arith.mulf %sub3A_249, %sub3A_249 : vector<16xf32>
        %add3A_251 = arith.addf %add3A_185, %mul3A_250 : vector<16xf32>
        %add3A_252 = arith.constant 112 : i32
        %add3A_253 = vector.broadcast %add3A_252 : i32 to vector<16xi32>
        %add3A_254 = arith.addi %and3A_201, %add3A_253 : vector<16xi32>
        %gather3A_255 = tpu.vector_load_idx %arg8[%broadcast_in_dim3A_72, %add3A_68, %add3A_254] : memref<2x128x128xf32, #tpu.memory_space<vmem>>[vector<16xi32>, vector<16xi32>, vector<16xi32>], vector<16xf32>,
        %sub3A_256 = arith.subf %gather3A_202, %gather3A_255 : vector<16xf32>
        %mul3A_257 = arith.mulf %sub3A_256, %sub3A_256 : vector<16xf32>
        %add3A_258 = arith.addf %add3A_192, %mul3A_257 : vector<16xf32>
        scf.yield %add3A_209, %add3A_216, %add3A_223, %add3A_230, %add3A_237, %add3A_244, %add3A_251, %add3A_258 : vector<16xf32>, vector<16xf32>, vector<16xf32>, vector<16xf32>, vector<16xf32>, vector<16xf32>, vector<16xf32>, vector<16xf32>
      }
      %scan3A_82 = arith.constant 8 : i32
      %min3A = arith.minimumf %scan3A_81#0, %scan3A_81#1 : vector<16xf32>
      %min3A_83 = arith.minimumf %min3A, %scan3A_81#2 : vector<16xf32>
      %min3A_84 = arith.minimumf %min3A_83, %scan3A_81#3 : vector<16xf32>
      %min3A_85 = arith.minimumf %min3A_84, %scan3A_81#4 : vector<16xf32>
      %min3A_86 = arith.minimumf %min3A_85, %scan3A_81#5 : vector<16xf32>
      %min3A_87 = arith.minimumf %min3A_86, %scan3A_81#6 : vector<16xf32>
      %min3A_88 = arith.minimumf %min3A_87, %scan3A_81#7 : vector<16xf32>
      %get3A = arith.constant 0 : index
      %get3A_89 = tpu.vector_load %arg9[%get3A] {strides = array<i32>} : memref<16xf32, #tpu.memory_space<vmem>>, vector<16xf32>,
      %bitcast3A = vector.bitcast %min3A_88 : vector<16xf32> to vector<16xi32>
      %shift_right_arithmetic3A = arith.constant 1 : i32
      %shift_right_arithmetic3A_90 = vector.broadcast %shift_right_arithmetic3A : i32 to vector<16xi32>
      %shift_right_arithmetic3A_91 = arith.shrsi %bitcast3A, %shift_right_arithmetic3A_90 : vector<16xi32>
      %sub3A = arith.constant 1597463007 : i32
      %sub3A_92 = vector.broadcast %sub3A : i32 to vector<16xi32>
      %sub3A_93 = arith.subi %sub3A_92, %shift_right_arithmetic3A_91 : vector<16xi32>
      %bitcast3A_94 = vector.bitcast %sub3A_93 : vector<16xi32> to vector<16xf32>
      %mul3A_95 = arith.constant 5.000000e-01 : f32
      %mul3A_96 = vector.broadcast %mul3A_95 : f32 to vector<16xf32>
      %mul3A_97 = arith.mulf %mul3A_96, %min3A_88 : vector<16xf32>
      %mul3A_98 = arith.mulf %mul3A_97, %bitcast3A_94 : vector<16xf32>
      %mul3A_99 = arith.mulf %mul3A_98, %bitcast3A_94 : vector<16xf32>
      %sub3A_100 = arith.constant 1.500000e+00 : f32
      %sub3A_101 = vector.broadcast %sub3A_100 : f32 to vector<16xf32>
      %sub3A_102 = arith.subf %sub3A_101, %mul3A_99 : vector<16xf32>
      %mul3A_103 = arith.mulf %bitcast3A_94, %sub3A_102 : vector<16xf32>
      %mul3A_104 = arith.mulf %mul3A_97, %mul3A_103 : vector<16xf32>
      %mul3A_105 = arith.mulf %mul3A_104, %mul3A_103 : vector<16xf32>
      %sub3A_106 = arith.constant 1.500000e+00 : f32
      %sub3A_107 = vector.broadcast %sub3A_106 : f32 to vector<16xf32>
      %sub3A_108 = arith.subf %sub3A_107, %mul3A_105 : vector<16xf32>
      %mul3A_109 = arith.mulf %mul3A_103, %sub3A_108 : vector<16xf32>
      %mul3A_110 = arith.mulf %mul3A_97, %mul3A_109 : vector<16xf32>
      %mul3A_111 = arith.mulf %mul3A_110, %mul3A_109 : vector<16xf32>
      %sub3A_112 = arith.constant 1.500000e+00 : f32
      %sub3A_113 = vector.broadcast %sub3A_112 : f32 to vector<16xf32>
      %sub3A_114 = arith.subf %sub3A_113, %mul3A_111 : vector<16xf32>
      %mul3A_115 = arith.mulf %mul3A_109, %sub3A_114 : vector<16xf32>
      %mul3A_116 = arith.mulf %min3A_88, %mul3A_115 : vector<16xf32>
      %add3A_117 = arith.addf %get3A_89, %mul3A_116 : vector<16xf32>
      %swap3A_118 = arith.constant 0 : index
      %swap3A_119 = tpu.vector_load %arg9[%swap3A_118] {strides = array<i32>} : memref<16xf32, #tpu.memory_space<vmem>>, vector<16xf32>,
      tpu.vector_store %arg9[%swap3A_118], %add3A_117 {strides = array<i32>} : memref<16xf32, #tpu.memory_space<vmem>>, vector<16xf32>,
    }
    %scan3A_63 = arith.constant 8 : i32
    "tpu.region"() ({
      %run_scoped3A = tpu.sem_alloc : memref<!tpu.dma_semaphore, #tpu.memory_space<semaphore_mem>>
      %dma_start3A_64 = arith.constant 0 : i32
      %dma_start3A_65 = tpu.memref_slice %arg5[%add3A, %dma_start3A_64] : memref<32x16xf32, #tpu.memory_space<hbm>> -> memref<1x16xf32, #tpu.memory_space<hbm>>
      %dma_start3A_66 = tpu.memref_squeeze %dma_start3A_65 : memref<1x16xf32, #tpu.memory_space<hbm>> -> memref<16xf32, #tpu.memory_space<hbm>>
      %dma_start3A_67 = arith.constant 0 : i32
      %dma_start3A_68 = tpu.memref_slice %arg5[%add3A, %dma_start3A_67] : memref<32x16xf32, #tpu.memory_space<hbm>> -> memref<1x16xf32, #tpu.memory_space<hbm>>
      %dma_start3A_69 = tpu.memref_squeeze %dma_start3A_68 : memref<1x16xf32, #tpu.memory_space<hbm>> -> memref<16xf32, #tpu.memory_space<hbm>>
      tpu.enqueue_dma source(%arg9 : memref<16xf32, #tpu.memory_space<vmem>>) target(%dma_start3A_69 : memref<16xf32, #tpu.memory_space<hbm>>) target_semaphore(%run_scoped3A : memref<!tpu.dma_semaphore, #tpu.memory_space<semaphore_mem>>)
      %dma_wait3A_70 = arith.constant 0 : i32
      %dma_wait3A_71 = tpu.memref_slice %arg5[%add3A, %dma_wait3A_70] : memref<32x16xf32, #tpu.memory_space<hbm>> -> memref<1x16xf32, #tpu.memory_space<hbm>>
      %dma_wait3A_72 = tpu.memref_squeeze %dma_wait3A_71 : memref<1x16xf32, #tpu.memory_space<hbm>> -> memref<16xf32, #tpu.memory_space<hbm>>
      %dma_wait3A_73 = arith.constant 0 : i32
      %dma_wait3A_74 = tpu.memref_slice %arg5[%add3A, %dma_wait3A_73] : memref<32x16xf32, #tpu.memory_space<hbm>> -> memref<1x16xf32, #tpu.memory_space<hbm>>
      %dma_wait3A_75 = tpu.memref_squeeze %dma_wait3A_74 : memref<1x16xf32, #tpu.memory_space<hbm>> -> memref<16xf32, #tpu.memory_space<hbm>>
      tpu.wait_dma2 semaphore(%run_scoped3A : memref<!tpu.dma_semaphore, #tpu.memory_space<semaphore_mem>>) src(%arg9 : memref<16xf32, #tpu.memory_space<vmem>>) dst(%dma_wait3A_75 : memref<16xf32, #tpu.memory_space<hbm>>)
      tpu.yield
    }) : () -> ()
    return
  }
}

#map = affine_map<(d0, d1) -> (0, 0)>
#map1 = affine_map<(d0, d1) -> (0, 0, 0)>
module attributes {stable_mosaic.version = 14 : i64} {
  func.func @_sc_fine_body(%arg0: i32, %arg1: i32, %arg2: memref<16384x16xf32, #tpu.memory_space<hbm>>, %arg3: memref<1000x128xf32, #tpu.memory_space<hbm>>, %arg4: memref<32x2x128xi32, #tpu.memory_space<hbm>>, %arg5: memref<32x16xf32, #tpu.memory_space<hbm>>, %arg6: memref<2x128xi32, #tpu.memory_space<vmem>>, %arg7: memref<256x16xf32, #tpu.memory_space<vmem>>, %arg8: memref<2x128x128xf32, #tpu.memory_space<vmem>>, %arg9: memref<16xf32, #tpu.memory_space<vmem>>, %arg10: memref<!tpu.dma_semaphore, #tpu.memory_space<semaphore_mem>>, %arg11: memref<!tpu.dma_semaphore, #tpu.memory_space<semaphore_mem>>) attributes {dimension_semantics = [#tpu.dimension_semantics<core_parallel>, #tpu.dimension_semantics<subcore_parallel>], iteration_bounds = array<i64: 2, 16>, scalar_prefetch = 0 : i64, scratch_operands = 6 : i64, tpu.core_type = #tpu.core_type<sc_vector_subcore>, window_params = [{transform_indices = #map}, {transform_indices = #map}, {transform_indices = #map1}, {transform_indices = #map}]} {
    %mul3A = arith.constant 2 : i32
    %mul3A_0 = arith.muli %arg1, %mul3A : i32
    %add3A = arith.addi %mul3A_0, %arg0 : i32
    %mul3A_1 = arith.constant 256 : i32
    %mul3A_2 = arith.muli %add3A, %mul3A_1 : i32
    %add3A_3 = arith.constant 0 : i32
    %add3A_4 = arith.addi %add3A_3, %mul3A_2 : i32
    "tpu.region"() ({
      %run_scoped3A = tpu.sem_alloc : memref<!tpu.dma_semaphore, #tpu.memory_space<semaphore_mem>>
      %dma_start3A_64 = arith.constant 0 : i32
      %dma_start3A_65 = arith.constant 0 : i32
      %dma_start3A_66 = tpu.memref_slice %arg4[%add3A, %dma_start3A_64, %dma_start3A_65] : memref<32x2x128xi32, #tpu.memory_space<hbm>> -> memref<1x2x128xi32, #tpu.memory_space<hbm>>
      %dma_start3A_67 = tpu.memref_squeeze %dma_start3A_66 : memref<1x2x128xi32, #tpu.memory_space<hbm>> -> memref<2x128xi32, #tpu.memory_space<hbm>>
      %dma_start3A_68 = arith.constant 0 : i32
      %dma_start3A_69 = arith.constant 0 : i32
      %dma_start3A_70 = tpu.memref_slice %arg4[%add3A, %dma_start3A_68, %dma_start3A_69] : memref<32x2x128xi32, #tpu.memory_space<hbm>> -> memref<1x2x128xi32, #tpu.memory_space<hbm>>
      %dma_start3A_71 = tpu.memref_squeeze %dma_start3A_70 : memref<1x2x128xi32, #tpu.memory_space<hbm>> -> memref<2x128xi32, #tpu.memory_space<hbm>>
      tpu.enqueue_dma source(%dma_start3A_71 : memref<2x128xi32, #tpu.memory_space<hbm>>) target(%arg6 : memref<2x128xi32, #tpu.memory_space<vmem>>) target_semaphore(%run_scoped3A : memref<!tpu.dma_semaphore, #tpu.memory_space<semaphore_mem>>)
      %dma_wait3A_72 = arith.constant 0 : i32
      %dma_wait3A_73 = arith.constant 0 : i32
      %dma_wait3A_74 = tpu.memref_slice %arg4[%add3A, %dma_wait3A_72, %dma_wait3A_73] : memref<32x2x128xi32, #tpu.memory_space<hbm>> -> memref<1x2x128xi32, #tpu.memory_space<hbm>>
      %dma_wait3A_75 = tpu.memref_squeeze %dma_wait3A_74 : memref<1x2x128xi32, #tpu.memory_space<hbm>> -> memref<2x128xi32, #tpu.memory_space<hbm>>
      %dma_wait3A_76 = arith.constant 0 : i32
      %dma_wait3A_77 = arith.constant 0 : i32
      %dma_wait3A_78 = tpu.memref_slice %arg4[%add3A, %dma_wait3A_76, %dma_wait3A_77] : memref<32x2x128xi32, #tpu.memory_space<hbm>> -> memref<1x2x128xi32, #tpu.memory_space<hbm>>
      %dma_wait3A_79 = tpu.memref_squeeze %dma_wait3A_78 : memref<1x2x128xi32, #tpu.memory_space<hbm>> -> memref<2x128xi32, #tpu.memory_space<hbm>>
      tpu.wait_dma2 semaphore(%run_scoped3A : memref<!tpu.dma_semaphore, #tpu.memory_space<semaphore_mem>>) src(%dma_wait3A_79 : memref<2x128xi32, #tpu.memory_space<hbm>>) dst(%arg6 : memref<2x128xi32, #tpu.memory_space<vmem>>)
      tpu.yield
    }) : () -> ()
    "tpu.region"() ({
      %run_scoped3A = tpu.sem_alloc : memref<!tpu.dma_semaphore, #tpu.memory_space<semaphore_mem>>
      %dma_start3A_64 = arith.constant 0 : i32
      %dma_start3A_65 = tpu.memref_slice %arg2[%add3A_4, %dma_start3A_64] : memref<16384x16xf32, #tpu.memory_space<hbm>> -> memref<256x16xf32, #tpu.memory_space<hbm>>
      %dma_start3A_66 = arith.constant 0 : i32
      %dma_start3A_67 = tpu.memref_slice %arg2[%add3A_4, %dma_start3A_66] : memref<16384x16xf32, #tpu.memory_space<hbm>> -> memref<256x16xf32, #tpu.memory_space<hbm>>
      tpu.enqueue_dma source(%dma_start3A_67 : memref<256x16xf32, #tpu.memory_space<hbm>>) target(%arg7 : memref<256x16xf32, #tpu.memory_space<vmem>>) target_semaphore(%run_scoped3A : memref<!tpu.dma_semaphore, #tpu.memory_space<semaphore_mem>>)
      %dma_wait3A_68 = arith.constant 0 : i32
      %dma_wait3A_69 = tpu.memref_slice %arg2[%add3A_4, %dma_wait3A_68] : memref<16384x16xf32, #tpu.memory_space<hbm>> -> memref<256x16xf32, #tpu.memory_space<hbm>>
      %dma_wait3A_70 = arith.constant 0 : i32
      %dma_wait3A_71 = tpu.memref_slice %arg2[%add3A_4, %dma_wait3A_70] : memref<16384x16xf32, #tpu.memory_space<hbm>> -> memref<256x16xf32, #tpu.memory_space<hbm>>
      tpu.wait_dma2 semaphore(%run_scoped3A : memref<!tpu.dma_semaphore, #tpu.memory_space<semaphore_mem>>) src(%dma_wait3A_71 : memref<256x16xf32, #tpu.memory_space<hbm>>) dst(%arg7 : memref<256x16xf32, #tpu.memory_space<vmem>>)
      tpu.yield
    }) : () -> ()
    %broadcast_in_dim3A = arith.constant 0.000000e+00 : f32
    %broadcast_in_dim3A_5 = vector.broadcast %broadcast_in_dim3A : f32 to vector<16xf32>
    %swap3A = arith.constant 0 : index
    %swap3A_6 = tpu.vector_load %arg9[%swap3A] {strides = array<i32>} : memref<16xf32, #tpu.memory_space<vmem>>, vector<16xf32>,
    tpu.vector_store %arg9[%swap3A], %broadcast_in_dim3A_5 {strides = array<i32>} : memref<16xf32, #tpu.memory_space<vmem>>, vector<16xf32>,
    %iota3A = tpu.iota {dimensions = array<i32: 0>} : vector<16xi32>
    %dma_start3A = arith.constant 0 : i32
    %dma_start3A_7 = arith.constant 0 : i32
    %dma_start3A_8 = arith.constant 0 : i32
    %dma_start3A_9 = arith.constant 0 : i32
    %dma_start3A_10 = tpu.memref_slice %arg8[%dma_start3A_7, %dma_start3A_8, %dma_start3A_9] : memref<2x128x128xf32, #tpu.memory_space<vmem>> -> memref<1x128x128xf32, #tpu.memory_space<vmem>>
    %dma_start3A_11 = tpu.memref_squeeze %dma_start3A_10 : memref<1x128x128xf32, #tpu.memory_space<vmem>> -> memref<128x128xf32, #tpu.memory_space<vmem>>
    %dma_start3A_12 = arith.constant 0 : i32
    %dma_start3A_13 = tpu.memref_slice %arg6[%dma_start3A, %dma_start3A_12] : memref<2x128xi32, #tpu.memory_space<vmem>> -> memref<1x128xi32, #tpu.memory_space<vmem>>
    %dma_start3A_14 = tpu.memref_squeeze %dma_start3A_13 : memref<1x128xi32, #tpu.memory_space<vmem>> -> memref<128xi32, #tpu.memory_space<vmem>>
    %dma_start3A_15 = arith.constant 0 : i32
    %dma_start3A_16 = arith.constant 0 : i32
    %dma_start3A_17 = tpu.memref_slice %arg3[%dma_start3A_15, %dma_start3A_16] : memref<1000x128xf32, #tpu.memory_space<hbm>> -> memref<1000x128xf32, #tpu.memory_space<hbm>>
    tpu.enqueue_indirect_dma source(%dma_start3A_17 : memref<1000x128xf32, #tpu.memory_space<hbm>>) target(%dma_start3A_11 : memref<128x128xf32, #tpu.memory_space<vmem>>) offsets(%dma_start3A_14 : memref<128xi32, #tpu.memory_space<vmem>>) semaphore(%arg10 : memref<!tpu.dma_semaphore, #tpu.memory_space<semaphore_mem>>)
    %dma_start3A_18 = arith.constant 1 : i32
    %dma_start3A_19 = arith.constant 1 : i32
    %dma_start3A_20 = arith.constant 0 : i32
    %dma_start3A_21 = arith.constant 0 : i32
    %dma_start3A_22 = tpu.memref_slice %arg8[%dma_start3A_19, %dma_start3A_20, %dma_start3A_21] : memref<2x128x128xf32, #tpu.memory_space<vmem>> -> memref<1x128x128xf32, #tpu.memory_space<vmem>>
    %dma_start3A_23 = tpu.memref_squeeze %dma_start3A_22 : memref<1x128x128xf32, #tpu.memory_space<vmem>> -> memref<128x128xf32, #tpu.memory_space<vmem>>
    %dma_start3A_24 = arith.constant 0 : i32
    %dma_start3A_25 = tpu.memref_slice %arg6[%dma_start3A_18, %dma_start3A_24] : memref<2x128xi32, #tpu.memory_space<vmem>> -> memref<1x128xi32, #tpu.memory_space<vmem>>
    %dma_start3A_26 = tpu.memref_squeeze %dma_start3A_25 : memref<1x128xi32, #tpu.memory_space<vmem>> -> memref<128xi32, #tpu.memory_space<vmem>>
    %dma_start3A_27 = arith.constant 0 : i32
    %dma_start3A_28 = arith.constant 0 : i32
    %dma_start3A_29 = tpu.memref_slice %arg3[%dma_start3A_27, %dma_start3A_28] : memref<1000x128xf32, #tpu.memory_space<hbm>> -> memref<1000x128xf32, #tpu.memory_space<hbm>>
    tpu.enqueue_indirect_dma source(%dma_start3A_29 : memref<1000x128xf32, #tpu.memory_space<hbm>>) target(%dma_start3A_23 : memref<128x128xf32, #tpu.memory_space<vmem>>) offsets(%dma_start3A_26 : memref<128xi32, #tpu.memory_space<vmem>>) semaphore(%arg11 : memref<!tpu.dma_semaphore, #tpu.memory_space<semaphore_mem>>)
    %dma_wait3A = arith.constant 0 : i32
    %dma_wait3A_30 = arith.constant 0 : i32
    %dma_wait3A_31 = arith.constant 0 : i32
    %dma_wait3A_32 = arith.constant 0 : i32
    %dma_wait3A_33 = tpu.memref_slice %arg8[%dma_wait3A_30, %dma_wait3A_31, %dma_wait3A_32] : memref<2x128x128xf32, #tpu.memory_space<vmem>> -> memref<1x128x128xf32, #tpu.memory_space<vmem>>
    %dma_wait3A_34 = tpu.memref_squeeze %dma_wait3A_33 : memref<1x128x128xf32, #tpu.memory_space<vmem>> -> memref<128x128xf32, #tpu.memory_space<vmem>>
    %dma_wait3A_35 = arith.constant 0 : i32
    %dma_wait3A_36 = tpu.memref_slice %arg6[%dma_wait3A, %dma_wait3A_35] : memref<2x128xi32, #tpu.memory_space<vmem>> -> memref<1x128xi32, #tpu.memory_space<vmem>>
    %dma_wait3A_37 = tpu.memref_squeeze %dma_wait3A_36 : memref<1x128xi32, #tpu.memory_space<vmem>> -> memref<128xi32, #tpu.memory_space<vmem>>
    %dma_wait3A_38 = arith.constant 0 : i32
    %dma_wait3A_39 = arith.constant 0 : i32
    %dma_wait3A_40 = tpu.memref_slice %arg3[%dma_wait3A_38, %dma_wait3A_39] : memref<1000x128xf32, #tpu.memory_space<hbm>> -> memref<1000x128xf32, #tpu.memory_space<hbm>>
    tpu.wait_indirect_dma semaphore(%arg10 : memref<!tpu.dma_semaphore, #tpu.memory_space<semaphore_mem>>) src(%dma_wait3A_40 : memref<1000x128xf32, #tpu.memory_space<hbm>>) dst(%dma_wait3A_34 : memref<128x128xf32, #tpu.memory_space<vmem>>)
    %scan3A = arith.constant 0 : i32
    %scan3A_41 = arith.constant 0 : i32
    %scan3A_42 = arith.constant 8 : i32
    %scan3A_43 = arith.addi %scan3A_41, %scan3A_42 : i32
    %scan3A_44 = arith.constant 1 : i32
    scf.for %scan3A_64 = %scan3A_41 to %scan3A_43 step %scan3A_44  : i32 {
      %mul3A_65 = arith.constant 16 : i32
      %mul3A_66 = arith.muli %scan3A_64, %mul3A_65 : i32
      %add3A_67 = vector.broadcast %mul3A_66 : i32 to vector<16xi32>
      %add3A_68 = arith.addi %iota3A, %add3A_67 : vector<16xi32>
      %add3A_69 = arith.constant 0 : i32
      %add3A_70 = arith.addi %mul3A_66, %add3A_69 : i32
      %broadcast_in_dim3A_71 = arith.constant 0 : i32
      %broadcast_in_dim3A_72 = vector.broadcast %broadcast_in_dim3A_71 : i32 to vector<16xi32>
      %broadcast_in_dim3A_73 = arith.constant 0.000000e+00 : f32
      %broadcast_in_dim3A_74 = vector.broadcast %broadcast_in_dim3A_73 : f32 to vector<16xf32>
      %add3A_75 = vector.broadcast %add3A_70 : i32 to vector<16xi32>
      %add3A_76 = arith.addi %iota3A, %add3A_75 : vector<16xi32>
      %scan3A_77 = arith.constant 0 : i32
      %scan3A_78 = arith.constant 8 : i32
      %scan3A_79 = arith.addi %scan3A_77, %scan3A_78 : i32
      %scan3A_80 = arith.constant 1 : i32
      %scan3A_81:8 = scf.for %scan3A_120 = %scan3A_77 to %scan3A_79 step %scan3A_80 iter_args(%scan3A_121 = %broadcast_in_dim3A_74, %scan3A_122 = %broadcast_in_dim3A_74, %scan3A_123 = %broadcast_in_dim3A_74, %scan3A_124 = %broadcast_in_dim3A_74, %scan3A_125 = %broadcast_in_dim3A_74, %scan3A_126 = %broadcast_in_dim3A_74, %scan3A_127 = %broadcast_in_dim3A_74, %scan3A_128 = %broadcast_in_dim3A_74) -> (vector<16xf32>, vector<16xf32>, vector<16xf32>, vector<16xf32>, vector<16xf32>, vector<16xf32>, vector<16xf32>, vector<16xf32>)  : i32 {
        %mul3A_129 = arith.constant 2 : i32
        %mul3A_130 = arith.muli %scan3A_120, %mul3A_129 : i32
        %add3A_131 = arith.constant 0 : i32
        %add3A_132 = arith.addi %mul3A_130, %add3A_131 : i32
        %broadcast_in_dim3A_133 = vector.broadcast %add3A_132 : i32 to vector<16xi32>
        %add3A_134 = arith.addi %broadcast_in_dim3A_133, %iota3A : vector<16xi32>
        %and3A = arith.constant 15 : i32
        %and3A_135 = vector.broadcast %and3A : i32 to vector<16xi32>
        %and3A_136 = arith.andi %add3A_134, %and3A_135 : vector<16xi32>
        %gather3A = tpu.vector_load_idx %arg7[%add3A_76, %and3A_136] : memref<256x16xf32, #tpu.memory_space<vmem>>[vector<16xi32>, vector<16xi32>], vector<16xf32>,
        %add3A_137 = arith.constant 0 : i32
        %add3A_138 = vector.broadcast %add3A_137 : i32 to vector<16xi32>
        %add3A_139 = arith.addi %and3A_136, %add3A_138 : vector<16xi32>
        %gather3A_140 = tpu.vector_load_idx %arg8[%broadcast_in_dim3A_72, %add3A_68, %add3A_139] : memref<2x128x128xf32, #tpu.memory_space<vmem>>[vector<16xi32>, vector<16xi32>, vector<16xi32>], vector<16xf32>,
        %sub3A_141 = arith.subf %gather3A, %gather3A_140 : vector<16xf32>
        %mul3A_142 = arith.mulf %sub3A_141, %sub3A_141 : vector<16xf32>
        %add3A_143 = arith.addf %scan3A_121, %mul3A_142 : vector<16xf32>
        %add3A_144 = arith.constant 16 : i32
        %add3A_145 = vector.broadcast %add3A_144 : i32 to vector<16xi32>
        %add3A_146 = arith.addi %and3A_136, %add3A_145 : vector<16xi32>
        %gather3A_147 = tpu.vector_load_idx %arg8[%broadcast_in_dim3A_72, %add3A_68, %add3A_146] : memref<2x128x128xf32, #tpu.memory_space<vmem>>[vector<16xi32>, vector<16xi32>, vector<16xi32>], vector<16xf32>,
        %sub3A_148 = arith.subf %gather3A, %gather3A_147 : vector<16xf32>
        %mul3A_149 = arith.mulf %sub3A_148, %sub3A_148 : vector<16xf32>
        %add3A_150 = arith.addf %scan3A_122, %mul3A_149 : vector<16xf32>
        %add3A_151 = arith.constant 32 : i32
        %add3A_152 = vector.broadcast %add3A_151 : i32 to vector<16xi32>
        %add3A_153 = arith.addi %and3A_136, %add3A_152 : vector<16xi32>
        %gather3A_154 = tpu.vector_load_idx %arg8[%broadcast_in_dim3A_72, %add3A_68, %add3A_153] : memref<2x128x128xf32, #tpu.memory_space<vmem>>[vector<16xi32>, vector<16xi32>, vector<16xi32>], vector<16xf32>,
        %sub3A_155 = arith.subf %gather3A, %gather3A_154 : vector<16xf32>
        %mul3A_156 = arith.mulf %sub3A_155, %sub3A_155 : vector<16xf32>
        %add3A_157 = arith.addf %scan3A_123, %mul3A_156 : vector<16xf32>
        %add3A_158 = arith.constant 48 : i32
        %add3A_159 = vector.broadcast %add3A_158 : i32 to vector<16xi32>
        %add3A_160 = arith.addi %and3A_136, %add3A_159 : vector<16xi32>
        %gather3A_161 = tpu.vector_load_idx %arg8[%broadcast_in_dim3A_72, %add3A_68, %add3A_160] : memref<2x128x128xf32, #tpu.memory_space<vmem>>[vector<16xi32>, vector<16xi32>, vector<16xi32>], vector<16xf32>,
        %sub3A_162 = arith.subf %gather3A, %gather3A_161 : vector<16xf32>
        %mul3A_163 = arith.mulf %sub3A_162, %sub3A_162 : vector<16xf32>
        %add3A_164 = arith.addf %scan3A_124, %mul3A_163 : vector<16xf32>
        %add3A_165 = arith.constant 64 : i32
        %add3A_166 = vector.broadcast %add3A_165 : i32 to vector<16xi32>
        %add3A_167 = arith.addi %and3A_136, %add3A_166 : vector<16xi32>
        %gather3A_168 = tpu.vector_load_idx %arg8[%broadcast_in_dim3A_72, %add3A_68, %add3A_167] : memref<2x128x128xf32, #tpu.memory_space<vmem>>[vector<16xi32>, vector<16xi32>, vector<16xi32>], vector<16xf32>,
        %sub3A_169 = arith.subf %gather3A, %gather3A_168 : vector<16xf32>
        %mul3A_170 = arith.mulf %sub3A_169, %sub3A_169 : vector<16xf32>
        %add3A_171 = arith.addf %scan3A_125, %mul3A_170 : vector<16xf32>
        %add3A_172 = arith.constant 80 : i32
        %add3A_173 = vector.broadcast %add3A_172 : i32 to vector<16xi32>
        %add3A_174 = arith.addi %and3A_136, %add3A_173 : vector<16xi32>
        %gather3A_175 = tpu.vector_load_idx %arg8[%broadcast_in_dim3A_72, %add3A_68, %add3A_174] : memref<2x128x128xf32, #tpu.memory_space<vmem>>[vector<16xi32>, vector<16xi32>, vector<16xi32>], vector<16xf32>,
        %sub3A_176 = arith.subf %gather3A, %gather3A_175 : vector<16xf32>
        %mul3A_177 = arith.mulf %sub3A_176, %sub3A_176 : vector<16xf32>
        %add3A_178 = arith.addf %scan3A_126, %mul3A_177 : vector<16xf32>
        %add3A_179 = arith.constant 96 : i32
        %add3A_180 = vector.broadcast %add3A_179 : i32 to vector<16xi32>
        %add3A_181 = arith.addi %and3A_136, %add3A_180 : vector<16xi32>
        %gather3A_182 = tpu.vector_load_idx %arg8[%broadcast_in_dim3A_72, %add3A_68, %add3A_181] : memref<2x128x128xf32, #tpu.memory_space<vmem>>[vector<16xi32>, vector<16xi32>, vector<16xi32>], vector<16xf32>,
        %sub3A_183 = arith.subf %gather3A, %gather3A_182 : vector<16xf32>
        %mul3A_184 = arith.mulf %sub3A_183, %sub3A_183 : vector<16xf32>
        %add3A_185 = arith.addf %scan3A_127, %mul3A_184 : vector<16xf32>
        %add3A_186 = arith.constant 112 : i32
        %add3A_187 = vector.broadcast %add3A_186 : i32 to vector<16xi32>
        %add3A_188 = arith.addi %and3A_136, %add3A_187 : vector<16xi32>
        %gather3A_189 = tpu.vector_load_idx %arg8[%broadcast_in_dim3A_72, %add3A_68, %add3A_188] : memref<2x128x128xf32, #tpu.memory_space<vmem>>[vector<16xi32>, vector<16xi32>, vector<16xi32>], vector<16xf32>,
        %sub3A_190 = arith.subf %gather3A, %gather3A_189 : vector<16xf32>
        %mul3A_191 = arith.mulf %sub3A_190, %sub3A_190 : vector<16xf32>
        %add3A_192 = arith.addf %scan3A_128, %mul3A_191 : vector<16xf32>
        %mul3A_193 = arith.constant 2 : i32
        %mul3A_194 = arith.muli %scan3A_120, %mul3A_193 : i32
        %add3A_195 = arith.constant 1 : i32
        %add3A_196 = arith.addi %mul3A_194, %add3A_195 : i32
        %broadcast_in_dim3A_197 = vector.broadcast %add3A_196 : i32 to vector<16xi32>
        %add3A_198 = arith.addi %broadcast_in_dim3A_197, %iota3A : vector<16xi32>
        %and3A_199 = arith.constant 15 : i32
        %and3A_200 = vector.broadcast %and3A_199 : i32 to vector<16xi32>
        %and3A_201 = arith.andi %add3A_198, %and3A_200 : vector<16xi32>
        %gather3A_202 = tpu.vector_load_idx %arg7[%add3A_76, %and3A_201] : memref<256x16xf32, #tpu.memory_space<vmem>>[vector<16xi32>, vector<16xi32>], vector<16xf32>,
        %add3A_203 = arith.constant 0 : i32
        %add3A_204 = vector.broadcast %add3A_203 : i32 to vector<16xi32>
        %add3A_205 = arith.addi %and3A_201, %add3A_204 : vector<16xi32>
        %gather3A_206 = tpu.vector_load_idx %arg8[%broadcast_in_dim3A_72, %add3A_68, %add3A_205] : memref<2x128x128xf32, #tpu.memory_space<vmem>>[vector<16xi32>, vector<16xi32>, vector<16xi32>], vector<16xf32>,
        %sub3A_207 = arith.subf %gather3A_202, %gather3A_206 : vector<16xf32>
        %mul3A_208 = arith.mulf %sub3A_207, %sub3A_207 : vector<16xf32>
        %add3A_209 = arith.addf %add3A_143, %mul3A_208 : vector<16xf32>
        %add3A_210 = arith.constant 16 : i32
        %add3A_211 = vector.broadcast %add3A_210 : i32 to vector<16xi32>
        %add3A_212 = arith.addi %and3A_201, %add3A_211 : vector<16xi32>
        %gather3A_213 = tpu.vector_load_idx %arg8[%broadcast_in_dim3A_72, %add3A_68, %add3A_212] : memref<2x128x128xf32, #tpu.memory_space<vmem>>[vector<16xi32>, vector<16xi32>, vector<16xi32>], vector<16xf32>,
        %sub3A_214 = arith.subf %gather3A_202, %gather3A_213 : vector<16xf32>
        %mul3A_215 = arith.mulf %sub3A_214, %sub3A_214 : vector<16xf32>
        %add3A_216 = arith.addf %add3A_150, %mul3A_215 : vector<16xf32>
        %add3A_217 = arith.constant 32 : i32
        %add3A_218 = vector.broadcast %add3A_217 : i32 to vector<16xi32>
        %add3A_219 = arith.addi %and3A_201, %add3A_218 : vector<16xi32>
        %gather3A_220 = tpu.vector_load_idx %arg8[%broadcast_in_dim3A_72, %add3A_68, %add3A_219] : memref<2x128x128xf32, #tpu.memory_space<vmem>>[vector<16xi32>, vector<16xi32>, vector<16xi32>], vector<16xf32>,
        %sub3A_221 = arith.subf %gather3A_202, %gather3A_220 : vector<16xf32>
        %mul3A_222 = arith.mulf %sub3A_221, %sub3A_221 : vector<16xf32>
        %add3A_223 = arith.addf %add3A_157, %mul3A_222 : vector<16xf32>
        %add3A_224 = arith.constant 48 : i32
        %add3A_225 = vector.broadcast %add3A_224 : i32 to vector<16xi32>
        %add3A_226 = arith.addi %and3A_201, %add3A_225 : vector<16xi32>
        %gather3A_227 = tpu.vector_load_idx %arg8[%broadcast_in_dim3A_72, %add3A_68, %add3A_226] : memref<2x128x128xf32, #tpu.memory_space<vmem>>[vector<16xi32>, vector<16xi32>, vector<16xi32>], vector<16xf32>,
        %sub3A_228 = arith.subf %gather3A_202, %gather3A_227 : vector<16xf32>
        %mul3A_229 = arith.mulf %sub3A_228, %sub3A_228 : vector<16xf32>
        %add3A_230 = arith.addf %add3A_164, %mul3A_229 : vector<16xf32>
        %add3A_231 = arith.constant 64 : i32
        %add3A_232 = vector.broadcast %add3A_231 : i32 to vector<16xi32>
        %add3A_233 = arith.addi %and3A_201, %add3A_232 : vector<16xi32>
        %gather3A_234 = tpu.vector_load_idx %arg8[%broadcast_in_dim3A_72, %add3A_68, %add3A_233] : memref<2x128x128xf32, #tpu.memory_space<vmem>>[vector<16xi32>, vector<16xi32>, vector<16xi32>], vector<16xf32>,
        %sub3A_235 = arith.subf %gather3A_202, %gather3A_234 : vector<16xf32>
        %mul3A_236 = arith.mulf %sub3A_235, %sub3A_235 : vector<16xf32>
        %add3A_237 = arith.addf %add3A_171, %mul3A_236 : vector<16xf32>
        %add3A_238 = arith.constant 80 : i32
        %add3A_239 = vector.broadcast %add3A_238 : i32 to vector<16xi32>
        %add3A_240 = arith.addi %and3A_201, %add3A_239 : vector<16xi32>
        %gather3A_241 = tpu.vector_load_idx %arg8[%broadcast_in_dim3A_72, %add3A_68, %add3A_240] : memref<2x128x128xf32, #tpu.memory_space<vmem>>[vector<16xi32>, vector<16xi32>, vector<16xi32>], vector<16xf32>,
        %sub3A_242 = arith.subf %gather3A_202, %gather3A_241 : vector<16xf32>
        %mul3A_243 = arith.mulf %sub3A_242, %sub3A_242 : vector<16xf32>
        %add3A_244 = arith.addf %add3A_178, %mul3A_243 : vector<16xf32>
        %add3A_245 = arith.constant 96 : i32
        %add3A_246 = vector.broadcast %add3A_245 : i32 to vector<16xi32>
        %add3A_247 = arith.addi %and3A_201, %add3A_246 : vector<16xi32>
        %gather3A_248 = tpu.vector_load_idx %arg8[%broadcast_in_dim3A_72, %add3A_68, %add3A_247] : memref<2x128x128xf32, #tpu.memory_space<vmem>>[vector<16xi32>, vector<16xi32>, vector<16xi32>], vector<16xf32>,
        %sub3A_249 = arith.subf %gather3A_202, %gather3A_248 : vector<16xf32>
        %mul3A_250 = arith.mulf %sub3A_249, %sub3A_249 : vector<16xf32>
        %add3A_251 = arith.addf %add3A_185, %mul3A_250 : vector<16xf32>
        %add3A_252 = arith.constant 112 : i32
        %add3A_253 = vector.broadcast %add3A_252 : i32 to vector<16xi32>
        %add3A_254 = arith.addi %and3A_201, %add3A_253 : vector<16xi32>
        %gather3A_255 = tpu.vector_load_idx %arg8[%broadcast_in_dim3A_72, %add3A_68, %add3A_254] : memref<2x128x128xf32, #tpu.memory_space<vmem>>[vector<16xi32>, vector<16xi32>, vector<16xi32>], vector<16xf32>,
        %sub3A_256 = arith.subf %gather3A_202, %gather3A_255 : vector<16xf32>
        %mul3A_257 = arith.mulf %sub3A_256, %sub3A_256 : vector<16xf32>
        %add3A_258 = arith.addf %add3A_192, %mul3A_257 : vector<16xf32>
        scf.yield %add3A_209, %add3A_216, %add3A_223, %add3A_230, %add3A_237, %add3A_244, %add3A_251, %add3A_258 : vector<16xf32>, vector<16xf32>, vector<16xf32>, vector<16xf32>, vector<16xf32>, vector<16xf32>, vector<16xf32>, vector<16xf32>
      }
      %scan3A_82 = arith.constant 8 : i32
      %min3A = arith.minimumf %scan3A_81#0, %scan3A_81#1 : vector<16xf32>
      %min3A_83 = arith.minimumf %min3A, %scan3A_81#2 : vector<16xf32>
      %min3A_84 = arith.minimumf %min3A_83, %scan3A_81#3 : vector<16xf32>
      %min3A_85 = arith.minimumf %min3A_84, %scan3A_81#4 : vector<16xf32>
      %min3A_86 = arith.minimumf %min3A_85, %scan3A_81#5 : vector<16xf32>
      %min3A_87 = arith.minimumf %min3A_86, %scan3A_81#6 : vector<16xf32>
      %min3A_88 = arith.minimumf %min3A_87, %scan3A_81#7 : vector<16xf32>
      %get3A = arith.constant 0 : index
      %get3A_89 = tpu.vector_load %arg9[%get3A] {strides = array<i32>} : memref<16xf32, #tpu.memory_space<vmem>>, vector<16xf32>,
      %bitcast3A = vector.bitcast %min3A_88 : vector<16xf32> to vector<16xi32>
      %shift_right_arithmetic3A = arith.constant 1 : i32
      %shift_right_arithmetic3A_90 = vector.broadcast %shift_right_arithmetic3A : i32 to vector<16xi32>
      %shift_right_arithmetic3A_91 = arith.shrsi %bitcast3A, %shift_right_arithmetic3A_90 : vector<16xi32>
      %sub3A = arith.constant 1597463007 : i32
      %sub3A_92 = vector.broadcast %sub3A : i32 to vector<16xi32>
      %sub3A_93 = arith.subi %sub3A_92, %shift_right_arithmetic3A_91 : vector<16xi32>
      %bitcast3A_94 = vector.bitcast %sub3A_93 : vector<16xi32> to vector<16xf32>
      %mul3A_95 = arith.constant 5.000000e-01 : f32
      %mul3A_96 = vector.broadcast %mul3A_95 : f32 to vector<16xf32>
      %mul3A_97 = arith.mulf %mul3A_96, %min3A_88 : vector<16xf32>
      %mul3A_98 = arith.mulf %mul3A_97, %bitcast3A_94 : vector<16xf32>
      %mul3A_99 = arith.mulf %mul3A_98, %bitcast3A_94 : vector<16xf32>
      %sub3A_100 = arith.constant 1.500000e+00 : f32
      %sub3A_101 = vector.broadcast %sub3A_100 : f32 to vector<16xf32>
      %sub3A_102 = arith.subf %sub3A_101, %mul3A_99 : vector<16xf32>
      %mul3A_103 = arith.mulf %bitcast3A_94, %sub3A_102 : vector<16xf32>
      %mul3A_104 = arith.mulf %mul3A_97, %mul3A_103 : vector<16xf32>
      %mul3A_105 = arith.mulf %mul3A_104, %mul3A_103 : vector<16xf32>
      %sub3A_106 = arith.constant 1.500000e+00 : f32
      %sub3A_107 = vector.broadcast %sub3A_106 : f32 to vector<16xf32>
      %sub3A_108 = arith.subf %sub3A_107, %mul3A_105 : vector<16xf32>
      %mul3A_109 = arith.mulf %mul3A_103, %sub3A_108 : vector<16xf32>
      %mul3A_110 = arith.mulf %mul3A_97, %mul3A_109 : vector<16xf32>
      %mul3A_111 = arith.mulf %mul3A_110, %mul3A_109 : vector<16xf32>
      %sub3A_112 = arith.constant 1.500000e+00 : f32
      %sub3A_113 = vector.broadcast %sub3A_112 : f32 to vector<16xf32>
      %sub3A_114 = arith.subf %sub3A_113, %mul3A_111 : vector<16xf32>
      %mul3A_115 = arith.mulf %mul3A_109, %sub3A_114 : vector<16xf32>
      %mul3A_116 = arith.mulf %min3A_88, %mul3A_115 : vector<16xf32>
      %add3A_117 = arith.addf %get3A_89, %mul3A_116 : vector<16xf32>
      %swap3A_118 = arith.constant 0 : index
      %swap3A_119 = tpu.vector_load %arg9[%swap3A_118] {strides = array<i32>} : memref<16xf32, #tpu.memory_space<vmem>>, vector<16xf32>,
      tpu.vector_store %arg9[%swap3A_118], %add3A_117 {strides = array<i32>} : memref<16xf32, #tpu.memory_space<vmem>>, vector<16xf32>,
    }
    %scan3A_45 = arith.constant 8 : i32
    %dma_wait3A_46 = arith.constant 1 : i32
    %dma_wait3A_47 = arith.constant 1 : i32
    %dma_wait3A_48 = arith.constant 0 : i32
    %dma_wait3A_49 = arith.constant 0 : i32
    %dma_wait3A_50 = tpu.memref_slice %arg8[%dma_wait3A_47, %dma_wait3A_48, %dma_wait3A_49] : memref<2x128x128xf32, #tpu.memory_space<vmem>> -> memref<1x128x128xf32, #tpu.memory_space<vmem>>
    %dma_wait3A_51 = tpu.memref_squeeze %dma_wait3A_50 : memref<1x128x128xf32, #tpu.memory_space<vmem>> -> memref<128x128xf32, #tpu.memory_space<vmem>>
    %dma_wait3A_52 = arith.constant 0 : i32
    %dma_wait3A_53 = tpu.memref_slice %arg6[%dma_wait3A_46, %dma_wait3A_52] : memref<2x128xi32, #tpu.memory_space<vmem>> -> memref<1x128xi32, #tpu.memory_space<vmem>>
    %dma_wait3A_54 = tpu.memref_squeeze %dma_wait3A_53 : memref<1x128xi32, #tpu.memory_space<vmem>> -> memref<128xi32, #tpu.memory_space<vmem>>
    %dma_wait3A_55 = arith.constant 0 : i32
    %dma_wait3A_56 = arith.constant 0 : i32
    %dma_wait3A_57 = tpu.memref_slice %arg3[%dma_wait3A_55, %dma_wait3A_56] : memref<1000x128xf32, #tpu.memory_space<hbm>> -> memref<1000x128xf32, #tpu.memory_space<hbm>>
    tpu.wait_indirect_dma semaphore(%arg11 : memref<!tpu.dma_semaphore, #tpu.memory_space<semaphore_mem>>) src(%dma_wait3A_57 : memref<1000x128xf32, #tpu.memory_space<hbm>>) dst(%dma_wait3A_51 : memref<128x128xf32, #tpu.memory_space<vmem>>)
    %scan3A_58 = arith.constant 0 : i32
    %scan3A_59 = arith.constant 0 : i32
    %scan3A_60 = arith.constant 8 : i32
    %scan3A_61 = arith.addi %scan3A_59, %scan3A_60 : i32
    %scan3A_62 = arith.constant 1 : i32
    scf.for %scan3A_64 = %scan3A_59 to %scan3A_61 step %scan3A_62  : i32 {
      %mul3A_65 = arith.constant 16 : i32
      %mul3A_66 = arith.muli %scan3A_64, %mul3A_65 : i32
      %add3A_67 = vector.broadcast %mul3A_66 : i32 to vector<16xi32>
      %add3A_68 = arith.addi %iota3A, %add3A_67 : vector<16xi32>
      %add3A_69 = arith.constant 128 : i32
      %add3A_70 = arith.addi %mul3A_66, %add3A_69 : i32
      %broadcast_in_dim3A_71 = arith.constant 1 : i32
      %broadcast_in_dim3A_72 = vector.broadcast %broadcast_in_dim3A_71 : i32 to vector<16xi32>
      %broadcast_in_dim3A_73 = arith.constant 0.000000e+00 : f32
      %broadcast_in_dim3A_74 = vector.broadcast %broadcast_in_dim3A_73 : f32 to vector<16xf32>
      %add3A_75 = vector.broadcast %add3A_70 : i32 to vector<16xi32>
      %add3A_76 = arith.addi %iota3A, %add3A_75 : vector<16xi32>
      %scan3A_77 = arith.constant 0 : i32
      %scan3A_78 = arith.constant 8 : i32
      %scan3A_79 = arith.addi %scan3A_77, %scan3A_78 : i32
      %scan3A_80 = arith.constant 1 : i32
      %scan3A_81:8 = scf.for %scan3A_120 = %scan3A_77 to %scan3A_79 step %scan3A_80 iter_args(%scan3A_121 = %broadcast_in_dim3A_74, %scan3A_122 = %broadcast_in_dim3A_74, %scan3A_123 = %broadcast_in_dim3A_74, %scan3A_124 = %broadcast_in_dim3A_74, %scan3A_125 = %broadcast_in_dim3A_74, %scan3A_126 = %broadcast_in_dim3A_74, %scan3A_127 = %broadcast_in_dim3A_74, %scan3A_128 = %broadcast_in_dim3A_74) -> (vector<16xf32>, vector<16xf32>, vector<16xf32>, vector<16xf32>, vector<16xf32>, vector<16xf32>, vector<16xf32>, vector<16xf32>)  : i32 {
        %mul3A_129 = arith.constant 2 : i32
        %mul3A_130 = arith.muli %scan3A_120, %mul3A_129 : i32
        %add3A_131 = arith.constant 0 : i32
        %add3A_132 = arith.addi %mul3A_130, %add3A_131 : i32
        %broadcast_in_dim3A_133 = vector.broadcast %add3A_132 : i32 to vector<16xi32>
        %add3A_134 = arith.addi %broadcast_in_dim3A_133, %iota3A : vector<16xi32>
        %and3A = arith.constant 15 : i32
        %and3A_135 = vector.broadcast %and3A : i32 to vector<16xi32>
        %and3A_136 = arith.andi %add3A_134, %and3A_135 : vector<16xi32>
        %gather3A = tpu.vector_load_idx %arg7[%add3A_76, %and3A_136] : memref<256x16xf32, #tpu.memory_space<vmem>>[vector<16xi32>, vector<16xi32>], vector<16xf32>,
        %add3A_137 = arith.constant 0 : i32
        %add3A_138 = vector.broadcast %add3A_137 : i32 to vector<16xi32>
        %add3A_139 = arith.addi %and3A_136, %add3A_138 : vector<16xi32>
        %gather3A_140 = tpu.vector_load_idx %arg8[%broadcast_in_dim3A_72, %add3A_68, %add3A_139] : memref<2x128x128xf32, #tpu.memory_space<vmem>>[vector<16xi32>, vector<16xi32>, vector<16xi32>], vector<16xf32>,
        %sub3A_141 = arith.subf %gather3A, %gather3A_140 : vector<16xf32>
        %mul3A_142 = arith.mulf %sub3A_141, %sub3A_141 : vector<16xf32>
        %add3A_143 = arith.addf %scan3A_121, %mul3A_142 : vector<16xf32>
        %add3A_144 = arith.constant 16 : i32
        %add3A_145 = vector.broadcast %add3A_144 : i32 to vector<16xi32>
        %add3A_146 = arith.addi %and3A_136, %add3A_145 : vector<16xi32>
        %gather3A_147 = tpu.vector_load_idx %arg8[%broadcast_in_dim3A_72, %add3A_68, %add3A_146] : memref<2x128x128xf32, #tpu.memory_space<vmem>>[vector<16xi32>, vector<16xi32>, vector<16xi32>], vector<16xf32>,
        %sub3A_148 = arith.subf %gather3A, %gather3A_147 : vector<16xf32>
        %mul3A_149 = arith.mulf %sub3A_148, %sub3A_148 : vector<16xf32>
        %add3A_150 = arith.addf %scan3A_122, %mul3A_149 : vector<16xf32>
        %add3A_151 = arith.constant 32 : i32
        %add3A_152 = vector.broadcast %add3A_151 : i32 to vector<16xi32>
        %add3A_153 = arith.addi %and3A_136, %add3A_152 : vector<16xi32>
        %gather3A_154 = tpu.vector_load_idx %arg8[%broadcast_in_dim3A_72, %add3A_68, %add3A_153] : memref<2x128x128xf32, #tpu.memory_space<vmem>>[vector<16xi32>, vector<16xi32>, vector<16xi32>], vector<16xf32>,
        %sub3A_155 = arith.subf %gather3A, %gather3A_154 : vector<16xf32>
        %mul3A_156 = arith.mulf %sub3A_155, %sub3A_155 : vector<16xf32>
        %add3A_157 = arith.addf %scan3A_123, %mul3A_156 : vector<16xf32>
        %add3A_158 = arith.constant 48 : i32
        %add3A_159 = vector.broadcast %add3A_158 : i32 to vector<16xi32>
        %add3A_160 = arith.addi %and3A_136, %add3A_159 : vector<16xi32>
        %gather3A_161 = tpu.vector_load_idx %arg8[%broadcast_in_dim3A_72, %add3A_68, %add3A_160] : memref<2x128x128xf32, #tpu.memory_space<vmem>>[vector<16xi32>, vector<16xi32>, vector<16xi32>], vector<16xf32>,
        %sub3A_162 = arith.subf %gather3A, %gather3A_161 : vector<16xf32>
        %mul3A_163 = arith.mulf %sub3A_162, %sub3A_162 : vector<16xf32>
        %add3A_164 = arith.addf %scan3A_124, %mul3A_163 : vector<16xf32>
        %add3A_165 = arith.constant 64 : i32
        %add3A_166 = vector.broadcast %add3A_165 : i32 to vector<16xi32>
        %add3A_167 = arith.addi %and3A_136, %add3A_166 : vector<16xi32>
        %gather3A_168 = tpu.vector_load_idx %arg8[%broadcast_in_dim3A_72, %add3A_68, %add3A_167] : memref<2x128x128xf32, #tpu.memory_space<vmem>>[vector<16xi32>, vector<16xi32>, vector<16xi32>], vector<16xf32>,
        %sub3A_169 = arith.subf %gather3A, %gather3A_168 : vector<16xf32>
        %mul3A_170 = arith.mulf %sub3A_169, %sub3A_169 : vector<16xf32>
        %add3A_171 = arith.addf %scan3A_125, %mul3A_170 : vector<16xf32>
        %add3A_172 = arith.constant 80 : i32
        %add3A_173 = vector.broadcast %add3A_172 : i32 to vector<16xi32>
        %add3A_174 = arith.addi %and3A_136, %add3A_173 : vector<16xi32>
        %gather3A_175 = tpu.vector_load_idx %arg8[%broadcast_in_dim3A_72, %add3A_68, %add3A_174] : memref<2x128x128xf32, #tpu.memory_space<vmem>>[vector<16xi32>, vector<16xi32>, vector<16xi32>], vector<16xf32>,
        %sub3A_176 = arith.subf %gather3A, %gather3A_175 : vector<16xf32>
        %mul3A_177 = arith.mulf %sub3A_176, %sub3A_176 : vector<16xf32>
        %add3A_178 = arith.addf %scan3A_126, %mul3A_177 : vector<16xf32>
        %add3A_179 = arith.constant 96 : i32
        %add3A_180 = vector.broadcast %add3A_179 : i32 to vector<16xi32>
        %add3A_181 = arith.addi %and3A_136, %add3A_180 : vector<16xi32>
        %gather3A_182 = tpu.vector_load_idx %arg8[%broadcast_in_dim3A_72, %add3A_68, %add3A_181] : memref<2x128x128xf32, #tpu.memory_space<vmem>>[vector<16xi32>, vector<16xi32>, vector<16xi32>], vector<16xf32>,
        %sub3A_183 = arith.subf %gather3A, %gather3A_182 : vector<16xf32>
        %mul3A_184 = arith.mulf %sub3A_183, %sub3A_183 : vector<16xf32>
        %add3A_185 = arith.addf %scan3A_127, %mul3A_184 : vector<16xf32>
        %add3A_186 = arith.constant 112 : i32
        %add3A_187 = vector.broadcast %add3A_186 : i32 to vector<16xi32>
        %add3A_188 = arith.addi %and3A_136, %add3A_187 : vector<16xi32>
        %gather3A_189 = tpu.vector_load_idx %arg8[%broadcast_in_dim3A_72, %add3A_68, %add3A_188] : memref<2x128x128xf32, #tpu.memory_space<vmem>>[vector<16xi32>, vector<16xi32>, vector<16xi32>], vector<16xf32>,
        %sub3A_190 = arith.subf %gather3A, %gather3A_189 : vector<16xf32>
        %mul3A_191 = arith.mulf %sub3A_190, %sub3A_190 : vector<16xf32>
        %add3A_192 = arith.addf %scan3A_128, %mul3A_191 : vector<16xf32>
        %mul3A_193 = arith.constant 2 : i32
        %mul3A_194 = arith.muli %scan3A_120, %mul3A_193 : i32
        %add3A_195 = arith.constant 1 : i32
        %add3A_196 = arith.addi %mul3A_194, %add3A_195 : i32
        %broadcast_in_dim3A_197 = vector.broadcast %add3A_196 : i32 to vector<16xi32>
        %add3A_198 = arith.addi %broadcast_in_dim3A_197, %iota3A : vector<16xi32>
        %and3A_199 = arith.constant 15 : i32
        %and3A_200 = vector.broadcast %and3A_199 : i32 to vector<16xi32>
        %and3A_201 = arith.andi %add3A_198, %and3A_200 : vector<16xi32>
        %gather3A_202 = tpu.vector_load_idx %arg7[%add3A_76, %and3A_201] : memref<256x16xf32, #tpu.memory_space<vmem>>[vector<16xi32>, vector<16xi32>], vector<16xf32>,
        %add3A_203 = arith.constant 0 : i32
        %add3A_204 = vector.broadcast %add3A_203 : i32 to vector<16xi32>
        %add3A_205 = arith.addi %and3A_201, %add3A_204 : vector<16xi32>
        %gather3A_206 = tpu.vector_load_idx %arg8[%broadcast_in_dim3A_72, %add3A_68, %add3A_205] : memref<2x128x128xf32, #tpu.memory_space<vmem>>[vector<16xi32>, vector<16xi32>, vector<16xi32>], vector<16xf32>,
        %sub3A_207 = arith.subf %gather3A_202, %gather3A_206 : vector<16xf32>
        %mul3A_208 = arith.mulf %sub3A_207, %sub3A_207 : vector<16xf32>
        %add3A_209 = arith.addf %add3A_143, %mul3A_208 : vector<16xf32>
        %add3A_210 = arith.constant 16 : i32
        %add3A_211 = vector.broadcast %add3A_210 : i32 to vector<16xi32>
        %add3A_212 = arith.addi %and3A_201, %add3A_211 : vector<16xi32>
        %gather3A_213 = tpu.vector_load_idx %arg8[%broadcast_in_dim3A_72, %add3A_68, %add3A_212] : memref<2x128x128xf32, #tpu.memory_space<vmem>>[vector<16xi32>, vector<16xi32>, vector<16xi32>], vector<16xf32>,
        %sub3A_214 = arith.subf %gather3A_202, %gather3A_213 : vector<16xf32>
        %mul3A_215 = arith.mulf %sub3A_214, %sub3A_214 : vector<16xf32>
        %add3A_216 = arith.addf %add3A_150, %mul3A_215 : vector<16xf32>
        %add3A_217 = arith.constant 32 : i32
        %add3A_218 = vector.broadcast %add3A_217 : i32 to vector<16xi32>
        %add3A_219 = arith.addi %and3A_201, %add3A_218 : vector<16xi32>
        %gather3A_220 = tpu.vector_load_idx %arg8[%broadcast_in_dim3A_72, %add3A_68, %add3A_219] : memref<2x128x128xf32, #tpu.memory_space<vmem>>[vector<16xi32>, vector<16xi32>, vector<16xi32>], vector<16xf32>,
        %sub3A_221 = arith.subf %gather3A_202, %gather3A_220 : vector<16xf32>
        %mul3A_222 = arith.mulf %sub3A_221, %sub3A_221 : vector<16xf32>
        %add3A_223 = arith.addf %add3A_157, %mul3A_222 : vector<16xf32>
        %add3A_224 = arith.constant 48 : i32
        %add3A_225 = vector.broadcast %add3A_224 : i32 to vector<16xi32>
        %add3A_226 = arith.addi %and3A_201, %add3A_225 : vector<16xi32>
        %gather3A_227 = tpu.vector_load_idx %arg8[%broadcast_in_dim3A_72, %add3A_68, %add3A_226] : memref<2x128x128xf32, #tpu.memory_space<vmem>>[vector<16xi32>, vector<16xi32>, vector<16xi32>], vector<16xf32>,
        %sub3A_228 = arith.subf %gather3A_202, %gather3A_227 : vector<16xf32>
        %mul3A_229 = arith.mulf %sub3A_228, %sub3A_228 : vector<16xf32>
        %add3A_230 = arith.addf %add3A_164, %mul3A_229 : vector<16xf32>
        %add3A_231 = arith.constant 64 : i32
        %add3A_232 = vector.broadcast %add3A_231 : i32 to vector<16xi32>
        %add3A_233 = arith.addi %and3A_201, %add3A_232 : vector<16xi32>
        %gather3A_234 = tpu.vector_load_idx %arg8[%broadcast_in_dim3A_72, %add3A_68, %add3A_233] : memref<2x128x128xf32, #tpu.memory_space<vmem>>[vector<16xi32>, vector<16xi32>, vector<16xi32>], vector<16xf32>,
        %sub3A_235 = arith.subf %gather3A_202, %gather3A_234 : vector<16xf32>
        %mul3A_236 = arith.mulf %sub3A_235, %sub3A_235 : vector<16xf32>
        %add3A_237 = arith.addf %add3A_171, %mul3A_236 : vector<16xf32>
        %add3A_238 = arith.constant 80 : i32
        %add3A_239 = vector.broadcast %add3A_238 : i32 to vector<16xi32>
        %add3A_240 = arith.addi %and3A_201, %add3A_239 : vector<16xi32>
        %gather3A_241 = tpu.vector_load_idx %arg8[%broadcast_in_dim3A_72, %add3A_68, %add3A_240] : memref<2x128x128xf32, #tpu.memory_space<vmem>>[vector<16xi32>, vector<16xi32>, vector<16xi32>], vector<16xf32>,
        %sub3A_242 = arith.subf %gather3A_202, %gather3A_241 : vector<16xf32>
        %mul3A_243 = arith.mulf %sub3A_242, %sub3A_242 : vector<16xf32>
        %add3A_244 = arith.addf %add3A_178, %mul3A_243 : vector<16xf32>
        %add3A_245 = arith.constant 96 : i32
        %add3A_246 = vector.broadcast %add3A_245 : i32 to vector<16xi32>
        %add3A_247 = arith.addi %and3A_201, %add3A_246 : vector<16xi32>
        %gather3A_248 = tpu.vector_load_idx %arg8[%broadcast_in_dim3A_72, %add3A_68, %add3A_247] : memref<2x128x128xf32, #tpu.memory_space<vmem>>[vector<16xi32>, vector<16xi32>, vector<16xi32>], vector<16xf32>,
        %sub3A_249 = arith.subf %gather3A_202, %gather3A_248 : vector<16xf32>
        %mul3A_250 = arith.mulf %sub3A_249, %sub3A_249 : vector<16xf32>
        %add3A_251 = arith.addf %add3A_185, %mul3A_250 : vector<16xf32>
        %add3A_252 = arith.constant 112 : i32
        %add3A_253 = vector.broadcast %add3A_252 : i32 to vector<16xi32>
        %add3A_254 = arith.addi %and3A_201, %add3A_253 : vector<16xi32>
        %gather3A_255 = tpu.vector_load_idx %arg8[%broadcast_in_dim3A_72, %add3A_68, %add3A_254] : memref<2x128x128xf32, #tpu.memory_space<vmem>>[vector<16xi32>, vector<16xi32>, vector<16xi32>], vector<16xf32>,
        %sub3A_256 = arith.subf %gather3A_202, %gather3A_255 : vector<16xf32>
        %mul3A_257 = arith.mulf %sub3A_256, %sub3A_256 : vector<16xf32>
        %add3A_258 = arith.addf %add3A_192, %mul3A_257 : vector<16xf32>
        scf.yield %add3A_209, %add3A_216, %add3A_223, %add3A_230, %add3A_237, %add3A_244, %add3A_251, %add3A_258 : vector<16xf32>, vector<16xf32>, vector<16xf32>, vector<16xf32>, vector<16xf32>, vector<16xf32>, vector<16xf32>, vector<16xf32>
      }
      %scan3A_82 = arith.constant 8 : i32
      %min3A = arith.minimumf %scan3A_81#0, %scan3A_81#1 : vector<16xf32>
      %min3A_83 = arith.minimumf %min3A, %scan3A_81#2 : vector<16xf32>
      %min3A_84 = arith.minimumf %min3A_83, %scan3A_81#3 : vector<16xf32>
      %min3A_85 = arith.minimumf %min3A_84, %scan3A_81#4 : vector<16xf32>
      %min3A_86 = arith.minimumf %min3A_85, %scan3A_81#5 : vector<16xf32>
      %min3A_87 = arith.minimumf %min3A_86, %scan3A_81#6 : vector<16xf32>
      %min3A_88 = arith.minimumf %min3A_87, %scan3A_81#7 : vector<16xf32>
      %get3A = arith.constant 0 : index
      %get3A_89 = tpu.vector_load %arg9[%get3A] {strides = array<i32>} : memref<16xf32, #tpu.memory_space<vmem>>, vector<16xf32>,
      %bitcast3A = vector.bitcast %min3A_88 : vector<16xf32> to vector<16xi32>
      %shift_right_arithmetic3A = arith.constant 1 : i32
      %shift_right_arithmetic3A_90 = vector.broadcast %shift_right_arithmetic3A : i32 to vector<16xi32>
      %shift_right_arithmetic3A_91 = arith.shrsi %bitcast3A, %shift_right_arithmetic3A_90 : vector<16xi32>
      %sub3A = arith.constant 1597463007 : i32
      %sub3A_92 = vector.broadcast %sub3A : i32 to vector<16xi32>
      %sub3A_93 = arith.subi %sub3A_92, %shift_right_arithmetic3A_91 : vector<16xi32>
      %bitcast3A_94 = vector.bitcast %sub3A_93 : vector<16xi32> to vector<16xf32>
      %mul3A_95 = arith.constant 5.000000e-01 : f32
      %mul3A_96 = vector.broadcast %mul3A_95 : f32 to vector<16xf32>
      %mul3A_97 = arith.mulf %mul3A_96, %min3A_88 : vector<16xf32>
      %mul3A_98 = arith.mulf %mul3A_97, %bitcast3A_94 : vector<16xf32>
      %mul3A_99 = arith.mulf %mul3A_98, %bitcast3A_94 : vector<16xf32>
      %sub3A_100 = arith.constant 1.500000e+00 : f32
      %sub3A_101 = vector.broadcast %sub3A_100 : f32 to vector<16xf32>
      %sub3A_102 = arith.subf %sub3A_101, %mul3A_99 : vector<16xf32>
      %mul3A_103 = arith.mulf %bitcast3A_94, %sub3A_102 : vector<16xf32>
      %mul3A_104 = arith.mulf %mul3A_97, %mul3A_103 : vector<16xf32>
      %mul3A_105 = arith.mulf %mul3A_104, %mul3A_103 : vector<16xf32>
      %sub3A_106 = arith.constant 1.500000e+00 : f32
      %sub3A_107 = vector.broadcast %sub3A_106 : f32 to vector<16xf32>
      %sub3A_108 = arith.subf %sub3A_107, %mul3A_105 : vector<16xf32>
      %mul3A_109 = arith.mulf %mul3A_103, %sub3A_108 : vector<16xf32>
      %mul3A_110 = arith.mulf %mul3A_97, %mul3A_109 : vector<16xf32>
      %mul3A_111 = arith.mulf %mul3A_110, %mul3A_109 : vector<16xf32>
      %sub3A_112 = arith.constant 1.500000e+00 : f32
      %sub3A_113 = vector.broadcast %sub3A_112 : f32 to vector<16xf32>
      %sub3A_114 = arith.subf %sub3A_113, %mul3A_111 : vector<16xf32>
      %mul3A_115 = arith.mulf %mul3A_109, %sub3A_114 : vector<16xf32>
      %mul3A_116 = arith.mulf %min3A_88, %mul3A_115 : vector<16xf32>
      %add3A_117 = arith.addf %get3A_89, %mul3A_116 : vector<16xf32>
      %swap3A_118 = arith.constant 0 : index
      %swap3A_119 = tpu.vector_load %arg9[%swap3A_118] {strides = array<i32>} : memref<16xf32, #tpu.memory_space<vmem>>, vector<16xf32>,
      tpu.vector_store %arg9[%swap3A_118], %add3A_117 {strides = array<i32>} : memref<16xf32, #tpu.memory_space<vmem>>, vector<16xf32>,
    }
    %scan3A_63 = arith.constant 8 : i32
    "tpu.region"() ({
      %run_scoped3A = tpu.sem_alloc : memref<!tpu.dma_semaphore, #tpu.memory_space<semaphore_mem>>
      %dma_start3A_64 = arith.constant 0 : i32
      %dma_start3A_65 = tpu.memref_slice %arg5[%add3A, %dma_start3A_64] : memref<32x16xf32, #tpu.memory_space<hbm>> -> memref<1x16xf32, #tpu.memory_space<hbm>>
      %dma_start3A_66 = tpu.memref_squeeze %dma_start3A_65 : memref<1x16xf32, #tpu.memory_space<hbm>> -> memref<16xf32, #tpu.memory_space<hbm>>
      %dma_start3A_67 = arith.constant 0 : i32
      %dma_start3A_68 = tpu.memref_slice %arg5[%add3A, %dma_start3A_67] : memref<32x16xf32, #tpu.memory_space<hbm>> -> memref<1x16xf32, #tpu.memory_space<hbm>>
      %dma_start3A_69 = tpu.memref_squeeze %dma_start3A_68 : memref<1x16xf32, #tpu.memory_space<hbm>> -> memref<16xf32, #tpu.memory_space<hbm>>
      tpu.enqueue_dma source(%arg9 : memref<16xf32, #tpu.memory_space<vmem>>) target(%dma_start3A_69 : memref<16xf32, #tpu.memory_space<hbm>>) target_semaphore(%run_scoped3A : memref<!tpu.dma_semaphore, #tpu.memory_space<semaphore_mem>>)
      %dma_wait3A_70 = arith.constant 0 : i32
      %dma_wait3A_71 = tpu.memref_slice %arg5[%add3A, %dma_wait3A_70] : memref<32x16xf32, #tpu.memory_space<hbm>> -> memref<1x16xf32, #tpu.memory_space<hbm>>
      %dma_wait3A_72 = tpu.memref_squeeze %dma_wait3A_71 : memref<1x16xf32, #tpu.memory_space<hbm>> -> memref<16xf32, #tpu.memory_space<hbm>>
      %dma_wait3A_73 = arith.constant 0 : i32
      %dma_wait3A_74 = tpu.memref_slice %arg5[%add3A, %dma_wait3A_73] : memref<32x16xf32, #tpu.memory_space<hbm>> -> memref<1x16xf32, #tpu.memory_space<hbm>>
      %dma_wait3A_75 = tpu.memref_squeeze %dma_wait3A_74 : memref<1x16xf32, #tpu.memory_space<hbm>> -> memref<16xf32, #tpu.memory_space<hbm>>
      tpu.wait_dma2 semaphore(%run_scoped3A : memref<!tpu.dma_semaphore, #tpu.memory_space<semaphore_mem>>) src(%arg9 : memref<16xf32, #tpu.memory_space<vmem>>) dst(%dma_wait3A_75 : memref<16xf32, #tpu.memory_space<hbm>>)
      tpu.yield
    }) : () -> ()
    return
  }
}

module attributes {stable_mosaic.version = 14 : i64} {
  func.func @_coarse_body(%arg0: i32, %arg1: memref<1024x16xf32, #tpu.memory_space<vmem>>, %arg2: memref<2048x16xf32, #tpu.memory_space<vmem>>, %arg3: memref<1x1x2048xi32, #tpu.memory_space<vmem>>) attributes {dimension_semantics = [#tpu.dimension_semantics<arbitrary>], iteration_bounds = array<i64: 4>, scalar_prefetch = 0 : i64, scratch_operands = 0 : i64, tpu.core_type = #tpu.core_type<tc>, window_params = [{pipeline_mode = #tpu.pipeline_mode<synchronous>, transform_indices = @transform_0, window_bounds = array<i64: 1024, 16>}, {transform_indices = @transform_1, window_bounds = array<i64: 2048, 16>}, {transform_indices = @transform_2, window_bounds = array<i64: 1, 1, 2048>}]} {
    %get3A = arith.constant 0 : index
    %get3A_0 = arith.constant 0 : index
    %get3A_1 = vector.load %arg1[%get3A, %get3A_0] : memref<1024x16xf32, #tpu.memory_space<vmem>>, vector<1024x16xf32>
    %get3A_2 = arith.constant 0 : index
    %get3A_3 = arith.constant 0 : index
    %get3A_4 = vector.load %arg2[%get3A_2, %get3A_3] : memref<2048x16xf32, #tpu.memory_space<vmem>>, vector<2048x16xf32>
    %mul3A = arith.constant -2.000000e+00 : f32
    %mul3A_5 = vector.broadcast %mul3A : f32 to vector<1024x16xf32>
    %mul3A_6 = arith.mulf %mul3A_5, %get3A_1 : vector<1024x16xf32>
    %dot_general3A = arith.constant dense<0.000000e+00> : vector<1024x2048xf32>
    %dot_general3A_7 = tpu.matmul %mul3A_6, %get3A_4, %dot_general3A {dimension_numbers = #tpu.dot_dimension_numbers<[1], [1], [0], [0], [0, 0, 1, 0], [], []>, transpose_lhs_hint = false} : vector<1024x16xf32>, vector<2048x16xf32>, vector<1024x2048xf32> -> vector<1024x2048xf32>
    %iota3A = tpu.iota {dimensions = array<i32: 0>} : vector<1024x1xi32>
    %mul3A_8 = arith.mulf %get3A_1, %get3A_1 : vector<1024x16xf32>
    %reduce_sum3A = arith.constant dense<0.000000e+00> : vector<1024xf32>
    %reduce_sum3A_9 = vector.multi_reduction <add>, %mul3A_8, %reduce_sum3A [1] : vector<1024x16xf32> to vector<1024xf32>
    %broadcast_in_dim3A = vector.shape_cast %reduce_sum3A_9 : vector<1024xf32> to vector<1024x1xf32>
    %ge3A = arith.constant 1000 : i32
    %ge3A_10 = vector.broadcast %ge3A : i32 to vector<1024x1xi32>
    %ge3A_11 = arith.cmpi sge, %iota3A, %ge3A_10 : vector<1024x1xi32>
    %jit3A = arith.constant 1.000000e+30 : f32
    %jit3A_12 = arith.constant 0.000000e+00 : f32
    %broadcast_in_dim3A_13 = vector.broadcast %jit3A : f32 to vector<1024x1xf32>
    %broadcast_in_dim3A_14 = vector.broadcast %jit3A_12 : f32 to vector<1024x1xf32>
    %select_n3A = arith.select %ge3A_11, %broadcast_in_dim3A_13, %broadcast_in_dim3A_14 : vector<1024x1xi1>, vector<1024x1xf32>
    %add3A = arith.addf %broadcast_in_dim3A, %select_n3A : vector<1024x1xf32>
    %mul3A_15 = arith.mulf %get3A_4, %get3A_4 : vector<2048x16xf32>
    %reduce_sum3A_16 = arith.constant dense<0.000000e+00> : vector<2048xf32>
    %reduce_sum3A_17 = vector.multi_reduction <add>, %mul3A_15, %reduce_sum3A_16 [1] : vector<2048x16xf32> to vector<2048xf32>
    %broadcast_in_dim3A_18 = vector.shape_cast %reduce_sum3A_17 : vector<2048xf32> to vector<1x2048xf32>
    %add3A_19 = vector.broadcast %broadcast_in_dim3A_18 : vector<1x2048xf32> to vector<1024x2048xf32>
    %add3A_20 = arith.addf %dot_general3A_7, %add3A_19 : vector<1024x2048xf32>
    %add3A_21 = vector.broadcast %add3A : vector<1024x1xf32> to vector<1024x2048xf32>
    %add3A_22 = arith.addf %add3A_20, %add3A_21 : vector<1024x2048xf32>
    %max3A = arith.constant 0.000000e+00 : f32
    %max3A_23 = vector.broadcast %max3A : f32 to vector<1024x2048xf32>
    %max3A_24 = arith.maximumf %add3A_22, %max3A_23 : vector<1024x2048xf32>
    %bitcast_convert_type3A = tpu.bitcast %max3A_24 : vector<1024x2048xf32> -> vector<1024x2048xi32>
    %and3A = arith.constant -1024 : i32
    %and3A_25 = vector.broadcast %and3A : i32 to vector<1024x2048xi32>
    %and3A_26 = arith.andi %bitcast_convert_type3A, %and3A_25 : vector<1024x2048xi32>
    %or3A = vector.broadcast %iota3A : vector<1024x1xi32> to vector<1024x2048xi32>
    %or3A_27 = arith.ori %and3A_26, %or3A : vector<1024x2048xi32>
    %bitcast_convert_type3A_28 = tpu.bitcast %or3A_27 : vector<1024x2048xi32> -> vector<1024x2048xf32>
    %reduce_min3A = arith.constant dense<0x7F800000> : vector<2048xf32>
    %reduce_min3A_29 = vector.multi_reduction <minimumf>, %bitcast_convert_type3A_28, %reduce_min3A [0] : vector<1024x2048xf32> to vector<2048xf32>
    %bitcast_convert_type3A_30 = tpu.bitcast %reduce_min3A_29 : vector<2048xf32> -> vector<2048xi32>
    %and3A_31 = arith.constant 1023 : i32
    %and3A_32 = vector.broadcast %and3A_31 : i32 to vector<2048xi32>
    %and3A_33 = arith.andi %bitcast_convert_type3A_30, %and3A_32 : vector<2048xi32>
    %reshape3A = vector.shape_cast %and3A_33 : vector<2048xi32> to vector<1x2048xi32>
    %swap3A = arith.constant 0 : index
    %swap3A_34 = arith.constant 0 : index
    %swap3A_35 = arith.constant 0 : index
    %swap3A_36 = vector.load %arg3[%swap3A, %swap3A_34, %swap3A_35] : memref<1x1x2048xi32, #tpu.memory_space<vmem>>, vector<1x1x2048xi32>
    %swap3A_37 = vector.shape_cast %swap3A_36 : vector<1x1x2048xi32> to vector<1x2048xi32>
    %swap3A_38 = vector.shape_cast %reshape3A : vector<1x2048xi32> to vector<1x1x2048xi32>
    tpu.vector_store %arg3[%swap3A, %swap3A_34, %swap3A_35], %swap3A_38 {strides = array<i32>} : memref<1x1x2048xi32, #tpu.memory_space<vmem>>, vector<1x1x2048xi32>,
    return
  }
  func.func @transform_0(%arg0: i32) -> (i32, i32) {
    %c0_i32 = arith.constant 0 : i32
    %c0_i32_0 = arith.constant 0 : i32
    %c0_i32_1 = arith.constant 0 : i32
    return %c0_i32, %c0_i32_0 : i32, i32
  }
  func.func @transform_1(%arg0: i32) -> (i32, i32) {
    %add3A = arith.constant 4 : i32
    %add3A_0 = arith.addi %arg0, %add3A : i32
    %c0_i32 = arith.constant 0 : i32
    %c0_i32_1 = arith.constant 0 : i32
    return %add3A_0, %c0_i32 : i32, i32
  }
  func.func @transform_2(%arg0: i32) -> (i32, i32, i32) {
    %c0_i32 = arith.constant 0 : i32
    %c0_i32_0 = arith.constant 0 : i32
    %c0_i32_1 = arith.constant 0 : i32
    return %arg0, %c0_i32, %c0_i32_0 : i32, i32, i32
  }
}

module attributes {stable_mosaic.version = 14 : i64} {
  func.func @_coarse_body(%arg0: i32, %arg1: memref<1024x16xf32, #tpu.memory_space<vmem>>, %arg2: memref<2048x16xf32, #tpu.memory_space<vmem>>, %arg3: memref<1x1x2048xi32, #tpu.memory_space<vmem>>) attributes {dimension_semantics = [#tpu.dimension_semantics<arbitrary>], iteration_bounds = array<i64: 4>, scalar_prefetch = 0 : i64, scratch_operands = 0 : i64, tpu.core_type = #tpu.core_type<tc>, window_params = [{pipeline_mode = #tpu.pipeline_mode<synchronous>, transform_indices = @transform_0, window_bounds = array<i64: 1024, 16>}, {transform_indices = @transform_1, window_bounds = array<i64: 2048, 16>}, {transform_indices = @transform_2, window_bounds = array<i64: 1, 1, 2048>}]} {
    %get3A = arith.constant 0 : index
    %get3A_0 = arith.constant 0 : index
    %get3A_1 = vector.load %arg1[%get3A, %get3A_0] : memref<1024x16xf32, #tpu.memory_space<vmem>>, vector<1024x16xf32>
    %get3A_2 = arith.constant 0 : index
    %get3A_3 = arith.constant 0 : index
    %get3A_4 = vector.load %arg2[%get3A_2, %get3A_3] : memref<2048x16xf32, #tpu.memory_space<vmem>>, vector<2048x16xf32>
    %mul3A = arith.constant -2.000000e+00 : f32
    %mul3A_5 = vector.broadcast %mul3A : f32 to vector<1024x16xf32>
    %mul3A_6 = arith.mulf %mul3A_5, %get3A_1 : vector<1024x16xf32>
    %dot_general3A = arith.constant dense<0.000000e+00> : vector<1024x2048xf32>
    %dot_general3A_7 = tpu.matmul %mul3A_6, %get3A_4, %dot_general3A {dimension_numbers = #tpu.dot_dimension_numbers<[1], [1], [0], [0], [0, 0, 1, 0], [], []>, transpose_lhs_hint = false} : vector<1024x16xf32>, vector<2048x16xf32>, vector<1024x2048xf32> -> vector<1024x2048xf32>
    %iota3A = tpu.iota {dimensions = array<i32: 0>} : vector<1024x1xi32>
    %mul3A_8 = arith.mulf %get3A_1, %get3A_1 : vector<1024x16xf32>
    %reduce_sum3A = arith.constant dense<0.000000e+00> : vector<1024xf32>
    %reduce_sum3A_9 = vector.multi_reduction <add>, %mul3A_8, %reduce_sum3A [1] : vector<1024x16xf32> to vector<1024xf32>
    %broadcast_in_dim3A = vector.shape_cast %reduce_sum3A_9 : vector<1024xf32> to vector<1024x1xf32>
    %ge3A = arith.constant 1000 : i32
    %ge3A_10 = vector.broadcast %ge3A : i32 to vector<1024x1xi32>
    %ge3A_11 = arith.cmpi sge, %iota3A, %ge3A_10 : vector<1024x1xi32>
    %jit3A = arith.constant 1.000000e+30 : f32
    %jit3A_12 = arith.constant 0.000000e+00 : f32
    %broadcast_in_dim3A_13 = vector.broadcast %jit3A : f32 to vector<1024x1xf32>
    %broadcast_in_dim3A_14 = vector.broadcast %jit3A_12 : f32 to vector<1024x1xf32>
    %select_n3A = arith.select %ge3A_11, %broadcast_in_dim3A_13, %broadcast_in_dim3A_14 : vector<1024x1xi1>, vector<1024x1xf32>
    %add3A = arith.addf %broadcast_in_dim3A, %select_n3A : vector<1024x1xf32>
    %mul3A_15 = arith.mulf %get3A_4, %get3A_4 : vector<2048x16xf32>
    %reduce_sum3A_16 = arith.constant dense<0.000000e+00> : vector<2048xf32>
    %reduce_sum3A_17 = vector.multi_reduction <add>, %mul3A_15, %reduce_sum3A_16 [1] : vector<2048x16xf32> to vector<2048xf32>
    %broadcast_in_dim3A_18 = vector.shape_cast %reduce_sum3A_17 : vector<2048xf32> to vector<1x2048xf32>
    %add3A_19 = vector.broadcast %broadcast_in_dim3A_18 : vector<1x2048xf32> to vector<1024x2048xf32>
    %add3A_20 = arith.addf %dot_general3A_7, %add3A_19 : vector<1024x2048xf32>
    %add3A_21 = vector.broadcast %add3A : vector<1024x1xf32> to vector<1024x2048xf32>
    %add3A_22 = arith.addf %add3A_20, %add3A_21 : vector<1024x2048xf32>
    %max3A = arith.constant 0.000000e+00 : f32
    %max3A_23 = vector.broadcast %max3A : f32 to vector<1024x2048xf32>
    %max3A_24 = arith.maximumf %add3A_22, %max3A_23 : vector<1024x2048xf32>
    %bitcast_convert_type3A = tpu.bitcast %max3A_24 : vector<1024x2048xf32> -> vector<1024x2048xi32>
    %and3A = arith.constant -1024 : i32
    %and3A_25 = vector.broadcast %and3A : i32 to vector<1024x2048xi32>
    %and3A_26 = arith.andi %bitcast_convert_type3A, %and3A_25 : vector<1024x2048xi32>
    %or3A = vector.broadcast %iota3A : vector<1024x1xi32> to vector<1024x2048xi32>
    %or3A_27 = arith.ori %and3A_26, %or3A : vector<1024x2048xi32>
    %bitcast_convert_type3A_28 = tpu.bitcast %or3A_27 : vector<1024x2048xi32> -> vector<1024x2048xf32>
    %reduce_min3A = arith.constant dense<0x7F800000> : vector<2048xf32>
    %reduce_min3A_29 = vector.multi_reduction <minimumf>, %bitcast_convert_type3A_28, %reduce_min3A [0] : vector<1024x2048xf32> to vector<2048xf32>
    %bitcast_convert_type3A_30 = tpu.bitcast %reduce_min3A_29 : vector<2048xf32> -> vector<2048xi32>
    %and3A_31 = arith.constant 1023 : i32
    %and3A_32 = vector.broadcast %and3A_31 : i32 to vector<2048xi32>
    %and3A_33 = arith.andi %bitcast_convert_type3A_30, %and3A_32 : vector<2048xi32>
    %reshape3A = vector.shape_cast %and3A_33 : vector<2048xi32> to vector<1x2048xi32>
    %swap3A = arith.constant 0 : index
    %swap3A_34 = arith.constant 0 : index
    %swap3A_35 = arith.constant 0 : index
    %swap3A_36 = vector.load %arg3[%swap3A, %swap3A_34, %swap3A_35] : memref<1x1x2048xi32, #tpu.memory_space<vmem>>, vector<1x1x2048xi32>
    %swap3A_37 = vector.shape_cast %swap3A_36 : vector<1x1x2048xi32> to vector<1x2048xi32>
    %swap3A_38 = vector.shape_cast %reshape3A : vector<1x2048xi32> to vector<1x1x2048xi32>
    tpu.vector_store %arg3[%swap3A, %swap3A_34, %swap3A_35], %swap3A_38 {strides = array<i32>} : memref<1x1x2048xi32, #tpu.memory_space<vmem>>, vector<1x1x2048xi32>,
    return
  }
  func.func @transform_0(%arg0: i32) -> (i32, i32) {
    %c0_i32 = arith.constant 0 : i32
    %c0_i32_0 = arith.constant 0 : i32
    %c0_i32_1 = arith.constant 0 : i32
    return %c0_i32, %c0_i32_0 : i32, i32
  }
  func.func @transform_1(%arg0: i32) -> (i32, i32) {
    %add3A = arith.constant 0 : i32
    %add3A_0 = arith.addi %arg0, %add3A : i32
    %c0_i32 = arith.constant 0 : i32
    %c0_i32_1 = arith.constant 0 : i32
    return %add3A_0, %c0_i32 : i32, i32
  }
  func.func @transform_2(%arg0: i32) -> (i32, i32, i32) {
    %c0_i32 = arith.constant 0 : i32
    %c0_i32_0 = arith.constant 0 : i32
    %c0_i32_1 = arith.constant 0 : i32
    return %arg0, %c0_i32, %c0_i32_0 : i32, i32, i32
  }
}

</mosaic_0001>

<sc_bundles>
// kernel: kernel.6.cloned.1.call-start
scs
__scs_entry_jumppad:
0x0: {  	(pc) =	sbr.rel $0x88, $3  }
0x1: {  	(tag) =	ssettag $0x0;
	lr =	simm.s32 $0x1  }
0x2: {  	[smem:$0x3F9E] =	sst lr;
	_ =	strace $0xD0000000  }
0x3: {  	_ = 	snop  }
0x4: {  	_ = 	snop  }
0x5: {  	_ = 	snop  }
0x6: {  	_ = 	snop  }
0x7: {  	_ = 	snop  }
__scs_overlays_trampoline_lowered:
0x8: {  	[smem:$0x3FAD] =	sst s0  }
0x9: {  	[smem:$0x3FAE] =	sst s1  }
0xa: {  	[smem:$0x3FAF] =	sst s2  }
0xb: {  	[smem:$0x3FB0] =	sst s3  }
0xc: {  	[smem:$0x3FB1] =	sst s4  }
0xd: {  	[smem:$0x3FB2] =	sst s5  }
0xe: {  	[smem:$0x3FB3] =	sst s6  }
0xf: {  	[smem:$0x3FB4] =	sst s7  }
0x10: {  	[smem:$0x3FB5] =	sst s8  }
0x11: {  	[smem:$0x3FB6] =	sst s9;
	s0 =	simm.s32 @!p0 $0x0  }
0x12: {  	s1 =	sld [smem:$0x3F9C];
	s0 =	simm.s32 @p0 $0x1  }
0x13: {  	[smem:$0x3FB7] =	sst s0;
	s0 =	simm.s32 @!p1 $0x0  }
0x14: {  	s2 =	sld [smem:$0x3F9B];
	s0 =	simm.s32 @p1 $0x1  }
0x15: {  	[smem:$0x3FB8] =	sst s0;
	s0 =	simm.s32 @!p2 $0x0  }
0x16: {  	s3 =	sld [smem:$0x3FDB];
	s0 =	simm.s32 @p2 $0x1  }
0x17: {  	s4 =	simm.s32 $0x1BF5;
	[smem:$0x3FBA] =	sst s0  }
0x18: {  	s0 =	sld [smem:$0x3F9D];
	_ =	swait.ge [sflag:s4], $0x0  }
0x19: {  	s7 =	sld [smem:$0x3F9E]  }
0x1a: {  	s8 =	sadd.s32 $0xFFFFE003, lr  }
0x1b: {  	s9 =	sadd.s32 $0xFFFFFEF7, lr;
	s5 =	simm.s32 $0xFFFFFFFF;
	p2 =	slt.u32 s8, $0xFFFFF086  }
0x1c: {  	p1 =	slt.u32 s9, $0xF7A;
	s5 =	simm.s32 @!p2 $0x0  }
0x1d: {  	s5 =	simm.s32 @p1 $0x1;
	p0 =	seq.s32 s7, s2  }
0x1e: {  	s7 =	smul.u32 @!p0 $0xF7A, s2;
	p2 =	seq.s32 @!p0 s5, $0x0  }
0x1f: {  	s9 =	smul.u32 $0xF7A, s1;
	s8 =	simm.s32 @!p0 $0x1BF5;
	p2 =	por !p2, p0  }
0x20: {  	[sflag:s8] =	ssyncset.s32 @!p0 $0xFFFFF086;
	s6 =	sadd.s32 @!p0 s3, s7;
	s7 =	simm.s32 @!p0 $0x108  }
0x21: {  	s3 =	sadd.s32 s3, s9;
	s6 =	sadd.s32 @!p0 $0x88, s6;
	s7 =	simm.s32 @p2 $0x1082  }
0x22: {  	[simem:s7], [sflag:s8] =	dma.local @!p0 [hbm:s6], $0xF7A  }
0x23: {  	s9 =	sor.u32 $0xD0000000, s2;
	s6 =	simm.s32 $0x108;
	_ =	swait.ge @!p0 [sflag:s8], $0x0  }
0x24: {  	s3 =	sadd.s32 $0x88, s3;
	s6 =	simm.s32 @!p1 $0x1082;
	[sflag:s4] =	ssyncset.s32 $0xFFFFF086  }
0x25: {  	[simem:s6], [sflag:s4] =	dma.local [hbm:s3], $0xF7A  }
0x26: {  	[smem:$0x3F9E] =	sst s1;
	(tag) =	ssettag s2;
	_ =	strace s9  }
0x27: {  	s1 =	sld [smem:$0x3FAE]  }
0x28: {  	s2 =	sld [smem:$0x3FAF]  }
0x29: {  	s4 =	sld [smem:$0x3FB1]  }
0x2a: {  	p0 =	seq.s32 s5, $0x0;
	s5 =	sld [smem:$0x3FB2]  }
0x2b: {  	s6 =	sld [smem:$0x3FB3]  }
0x2c: {  	s7 =	sld [smem:$0x3FB4]  }
0x2d: {  	s3 =	simm.s32 $0x108;
	s8 =	sld [smem:$0x3FB5]  }
0x2e: {  	s3 =	simm.s32 @!p0 $0x1082;
	s9 =	sld [smem:$0x3FB6]  }
0x2f: {  	lr =	sadd.s32 s0, s3;
	s0 =	sld [smem:$0x3FAD]  }
0x30: {  	s3 =	sld [smem:$0x3FB0]  }
0x31: {  	[smem:$0x3FB9] =	sst s10  }
0x32: {  	s10 =	sld [smem:$0x3FB7];
	_ =	sdelay $0x3  }
0x33: {  	p0 =	seq.s32 s10, $0x1;
	s10 =	sld [smem:$0x3FB9];
	_ =	sdelay $0x3  }
0x34: {  	[smem:$0x3FB9] =	sst s10  }
0x35: {  	s10 =	sld [smem:$0x3FB8];
	_ =	sdelay $0x3  }
0x36: {  	p1 =	seq.s32 s10, $0x1;
	s10 =	sld [smem:$0x3FB9];
	_ =	sdelay $0x3  }
0x37: {  	[smem:$0x3FB9] =	sst s10  }
0x38: {  	s10 =	sld [smem:$0x3FBA]  }
0x39: {  	_ = 	snop;
	(pc) =	sbr.ind lr, $3  }
0x3a: {  	_ = 	snop  }
0x3b: {  	_ = 	snop  }
0x3c: {  	p2 =	seq.s32 s10, $0x1;
	s10 =	sld [smem:$0x3FB9]  }
0x3d: {  	_ =	shalt  }
0x3e: {  	_ =	shalt  }
0x3f: {  	_ =	shalt  }
0x40: {  	_ =	shalt  }
0x41: {  	_ =	shalt  }
0x42: {  	_ =	shalt  }
0x43: {  	_ =	shalt  }
0x44: {  	_ =	shalt  }
0x45: {  	_ =	shalt  }
0x46: {  	_ =	shalt  }
0x47: {  	_ =	shalt  }
0x48: {  	_ =	shalt  }
0x49: {  	_ =	shalt  }
0x4a: {  	_ =	shalt  }
0x4b: {  	_ =	shalt  }
0x4c: {  	_ =	shalt  }
0x4d: {  	_ =	shalt  }
0x4e: {  	_ =	shalt  }
0x4f: {  	_ =	shalt  }
0x50: {  	_ =	shalt  }
0x51: {  	_ =	shalt  }
0x52: {  	_ =	shalt  }
0x53: {  	_ =	shalt  }
0x54: {  	_ =	shalt  }
0x55: {  	_ =	shalt  }
0x56: {  	_ =	shalt  }
0x57: {  	_ =	shalt  }
0x58: {  	_ =	shalt  }
0x59: {  	_ =	shalt  }
0x5a: {  	_ =	shalt  }
0x5b: {  	_ =	shalt  }
0x5c: {  	_ =	shalt  }
0x5d: {  	_ =	shalt  }
0x5e: {  	_ =	shalt  }
0x5f: {  	_ =	shalt  }
0x60: {  	_ =	shalt  }
0x61: {  	_ =	shalt  }
0x62: {  	_ =	shalt  }
0x63: {  	_ =	shalt  }
0x64: {  	_ =	shalt  }
0x65: {  	_ =	shalt  }
0x66: {  	_ =	shalt  }
0x67: {  	_ =	shalt  }
0x68: {  	_ =	shalt  }
0x69: {  	_ =	shalt  }
0x6a: {  	_ =	shalt  }
0x6b: {  	_ =	shalt  }
0x6c: {  	_ =	shalt  }
0x6d: {  	_ =	shalt  }
0x6e: {  	_ =	shalt  }
0x6f: {  	_ =	shalt  }
0x70: {  	_ =	shalt  }
0x71: {  	_ =	shalt  }
0x72: {  	_ =	shalt  }
0x73: {  	_ =	shalt  }
0x74: {  	_ =	shalt  }
0x75: {  	_ =	shalt  }
0x76: {  	_ =	shalt  }
0x77: {  	_ =	shalt  }
0x78: {  	_ =	shalt  }
0x79: {  	_ =	shalt  }
0x7a: {  	_ =	shalt  }
0x7b: {  	_ =	shalt  }
0x7c: {  	_ =	shalt  }
0x7d: {  	_ =	shalt  }
0x7e: {  	_ =	shalt  }
0x7f: {  	_ =	shalt  }
0x80: {  	_ =	shalt  }
0x81: {  	_ =	shalt  }
0x82: {  	_ =	shalt  }
0x83: {  	_ =	shalt  }
0x84: {  	_ =	shalt  }
0x85: {  	_ =	shalt  }
0x86: {  	_ =	shalt  }
0x87: {  	_ =	shalt  }
.Lfunc_end0:
.L_simem_size_0:
called_computation_lowered:
.L_overlay_start_0:
0x88: {  	s2 =	sld [smem:$0x3FD9]  }
0x89: {  	s3 =	sld [smem:$0x3FFE];
	_ =	sdelay $0x1  }
0x8a: {  	s1 =	srdreg.scid  }
0x8b: {  	s0 =	sand.u32 $0x1, s1  }
0x8c: {  	s17 =	sshll.u32 s0, $0xA;
	s2 =	sadd.s32 s3, s2  }
0x8d: {  	s2 =	sadd.s32 s2, s17  }
0x8e: {  	[smem:$0x3FC5] =	sst s2  }
0x8f: {  	_ = 	snop  }
0x90: {  	(tm) =	ssettm $0x1  }
0x91: {  	s18 =	sld [smem:$0x3FFB];
	_ =	sdelay $0x3  }
0x92: {  	_ =	strace s18  }
0x93: {  	s2 =	sld [smem:$0x3FFC];
	_ =	sdelay $0x3  }
0x94: {  	_ =	strace s2  }
0x95: {  	s2 =	sld [smem:$0x3FFD];
	_ =	sdelay $0x3  }
0x96: {  	_ =	strace s2  }
0x97: {  	_ =	strace $0x8FFFFFFF  }
0x98: {  	s19 =	sld [smem:$0x3FDB];
	_ =	sdelay $0x1  }
0x99: {  	s20 =	simm.s32 $_scs_section_size  }
0x9a: {  	s4 =	simm.s32 $_size__tile_overlayer_lowered;
	s5 =	simm.s32 $_tile_overlayer_lowered  }
0x9b: {  	s6 =	simm.s32 $0x1BFF;
	s21 =	sshll.u32 s5, $0x1;
	s3 =	sadd.s32 s20, s19  }
0x9c: {  	s22 =	simm.s32 $0x0;
	s4 =	sshll.u32 s4, $0x1;
	s5 =	sadd.s32 s21, s3  }
0x9d: {  	[timem:s22], [sflag:s6] =	dma.local [hbm:s5], s4  }
0x9e: {  	_ =	swait.ge [sflag:s6], s4  }
0x9f: {  	s4 =	ssub.s32 $0x0, s4;
	[sflag:s6] =	ssyncset.done $0x0  }
0xa0: {  	[sflag:s6] =	ssyncadd.s32 s4;
	_ =	sdelay $0x1  }
0xa1: {  	s23 =	simm.s32 $0x1B8B  }
0xa2: {  	_ =	swait.ge [sflag:s23], $0x1  }
0xa3: {  	[sflag:s23] =	ssyncset.done $0x0  }
0xa4: {  	[sflag:s23] =	ssyncadd.s32 $0xFFFFFFFF  }
0xa5: {  	s4 =	sld [smem:$0x0]  }
0xa6: {  	s5 =	sand.u32 $0xFFFFFFFE, s1  }
0xa7: {  	p0 =	sne.s32 s1, s5  }
0xa8: {  	s5 =	sshll.u32 @p0 s5, $0xE  }
0xa9: {  	s5 =	sadd.s32 @p0 $0x11B8D, s5;
	s6 =	sshll.u32 @p0 s4, $0x11  }
0xaa: {  	s5 =	sor.u32 @p0 s6, s5  }
0xab: {  	[sflag:s5] =	ssyncadd.remote.s32 @p0 $0x1;
	_ =	sdelay $0x1  }
0xac: {  	s5 =	simm.s32 @p0 $0x1B8D  }
0xad: {  	_ =	swait.eq @p0 [sflag:s5], $0x1  }
0xae: {  	[sflag:s5] =	ssyncadd.s32 @p0 $0xFFFFFFFF  }
0xaf: {  	s6 =	sshll.u32 @!p0 s1, $0xE  }
0xb0: {  	s6 =	sor.u32 @!p0 $0x4000, s6;
	s5 =	simm.s32 @!p0 $0x1B8D  }
0xb1: {  	s4 =	sshll.u32 @!p0 s4, $0x11;
	s6 =	sadd.s32 @!p0 $0x11B8D, s6;
	_ =	swait.eq @!p0 [sflag:s5], $0x1  }
0xb2: {  	s4 =	sor.u32 @!p0 s4, s6;
	[sflag:s5] =	ssyncadd.s32 @!p0 $0xFFFFFFFF  }
0xb3: {  	s25 =	simm.s32 $0x1B8E;
	s24 =	sld [smem:$0x3FFE];
	[sflag:s4] =	ssyncadd.remote.s32 @!p0 $0x1  }
0xb4: {  	s26 =	simm.s32 $execute0_lowered;
	[smem:$0x3FD2] =	sst s25  }
0xb5: {  	s5 =	sshll.u32 s26, $0x1;
	_ =	strace $0x80000049;
	[dreg:$0x1] =	wrdreg $0xFFFFFFFF  }
0xb6: {  	s28 =	simm.s32 $_size_execute0_lowered;
	s3 =	sadd.s32 s3, s5;
	[dreg:$0x0] =	wrdreg $0x0  }
0xb7: {  	s5 =	sshll.u32 s28, $0x1;
	[dreg:$0x2] =	wrdreg s3  }
0xb8: {  	[dreg:$0x3] =	wrdreg s5  }
0xb9: {  	[dreg:$0x4] =	wrdreg $0xC0  }
0xba: {  	_ =	task [dreg:s22], $0x5FFFF  }
0xbb: {  	[dreg:$0x1] =	wrdreg $0xFFFFFFFF  }
0xbc: {  	[dreg:$0x0] =	wrdreg $0x60  }
0xbd: {  	[dreg:$0x2] =	wrdreg s24  }
0xbe: {  	[dreg:$0x3] =	wrdreg $0x9  }
0xbf: {  	_ =	task.clear_ibuf [dreg:s22], $0x4FFFF;
	_ =	strace $0x90000049  }
0xc0: {  	s29 =	simm.s32 $0x9;
	_ =	strace $0x8000004B  }
0xc1: {  	_ =	swait.ge [sflag:s29], $0x1  }
0xc2: {  	[sflag:s29] =	ssyncadd.s32 $0xFFFFFFFF  }
0xc3: {  	_ =	strace $0x9000004B  }
0xc4: {  	_ =	sfence  }
0xc5: {  	s30 =	sld [smem:$0x0];
	_ =	sdelay $0x2  }
0xc6: {  	s31 =	sshll.u32 s1, $0xD;
	s1 =	sshrl.u32 s1, $0x2  }
0xc7: {  	s4 =	sand.u32 $0x4000, s31;
	s1 =	sadd.s32 s1, s30  }
0xc8: {  	s0 =	sor.u32 s4, s0;
	s1 =	sshll.u32 s1, $0x11  }
0xc9: {  	s0 =	sor.u32 s1, s0  }
0xca: {  	s0 =	sadd.s32 $0x8F2B, s0  }
0xcb: {  	[sflag:s0] =	ssyncadd.remote.s32 $0x1  }
0xcc: {  	_ =	sfence.sel $0xFFFF  }
0xcd: {  	[dreg:$0x0] =	wrdreg $0xFFFFFFFF;
	(pc) =	sbr.abs _section_cstart, $3  }
0xce: {  	[dreg:$0x1] =	wrdreg $0xFFFFFFFF  }
0xcf: {  	_ =	task.clear_ibuf [dreg:s22], $0x2FFFF;
	_ =	strace $0x9FFFFFFF  }
0xd0: {  	(tm) =	ssettm $0x7FFFFFFF  }
0xd1: {  	_ =	shalt  }
tec
execute0_lowered:
.L_overlay_start_1:
0x0: {  	(tag) =	ssettag $0x1  }
0x1: {  	s1 =	srdreg.scid  }
0x2: {  	s0 =	stileid.u32;
	s4 =	rddreg [dreg:$0x0]  }
0x3: {  	s2 =	simm.s32 $0x0;
	s10 =	simm.s32 $0x80;
	s11 =	simm.s32 $0x8100  }
0x4: {  	s12 =	simm.s32 $0xC100;
	s13 =	simm.s32 $0x1;
	s14 =	simm.s32 $0x2  }
0x5: {  	s15 =	simm.s32 $0x10100;
	s5 =	sand.u32 $0x1, s1;
	s1 =	rddreg [dreg:$0x1]  }
0x6: {  	s16 =	simm.s32 $0x0;
	s3 =	sshll.u32 s0, $0x1;
	[smem:$0x7FF] =	sst s2  }
0x7: {  	s6 =	sor.u32 s5, s3;
	_ =	strace $0x8000004A;
	s5 =	ssub.s32 $0x2, s5  }
0x8: {  	s3 =	sshll.u32 s6, $0xC;
	s8 =	sshll.u32 s6, $0x5;
	s6 =	sshll.u32 s6, $0x4  }
0x9: {  	s9 =	sshrl.u32 s5, $0x1;
	s7 =	sadd.s32 s3, s4;
	s3 =	sadd.s32 $0x40A00, s4  }
0xa: {  	s8 =	sadd.s32 s8, s4;
	s6 =	sadd.s32 s6, s4;
	s9 =	ssub.s32 s5, s9  }
0xb: {  	v0 =	vlaneseq.u32;
	s4 =	sadd.s32 $0x45000, s8;
	s5 =	sadd.s32 $0xA00, s7;
	s6 =	sadd.s32 $0x45400, s6  }
0xc: {  	v1 =	vimm.f32 $0.0e+00;
	v2 =	vmul.u32 $0x80, v0;
	s7 =	smax.u32 s9, $0x1;
	s8 =	simm.s32 $0x3;
	s9 =	simm.s32 $0x100  }
.LBB2_1:
0xd: {  	[tilespmem:s2], [sflag:$0x3] =	stream.linear.gather [hbm4b:s4+s2], $0x100, $0x38;
	[tilespmem:$0x10180] =	vst v63  }
0xe: {  	_ =	swait.ge [sflag:s8], $0x100  }
0xf: {  	[sflag:s8] =	ssyncset.done $0x0  }
0x10: {  	[sflag:s8] =	ssyncadd.s32 $0xFFFFFF00  }
0x11: {  	[tilespmem:s9], [sflag:$0x3] =	stream.linear.gather [hbm4b:s5+s2], $0x8000, $0x38;
	[tilespmem:$0x10180] =	vst v63  }
0x12: {  	_ =	swait.ge [sflag:s8], $0x8000  }
0x13: {  	[sflag:s8] =	ssyncset.done $0x0  }
0x14: {  	[sflag:s8] =	ssyncadd.s32 $0xFFFF8000  }
0x15: {  	[tilespmem:$0x10100] =	vst v1  }
0x16: {  	[tilespmem:s11], [sflag:$0x1] =	stream.indirect.gather [hbm4b:s3+s10], $0x80, s2, s10, $0xb8;
	[tilespmem:$0x10180] =	vst v63  }
0x17: {  	_ = 	snop  }
0x18: {  	[tilespmem:s12], [sflag:$0x2] =	stream.indirect.gather [hbm4b:s3+s10], $0x80, s10, s10, $0xb8;
	[tilespmem:$0x10180] =	vst v63  }
0x19: {  	_ =	swait.ge [sflag:s13], $0x4000  }
0x1a: {  	[sflag:s13] =	ssyncset.done $0x0  }
0x1b: {  	s17 =	simm.s32 $0x0;
	[sflag:s13] =	ssyncadd.s32 $0xFFFFC000  }
.LBB2_2:
0x1c: {  	s18 =	sshll.u32 s17, $0x4  }
0x1d: {  	s28 =	simm.s32 $0x0;
	v3 =	vmov s18  }
0x1e: {  	v10 =	vadd.s32 s28, v0;
	v3 =	vshll.u32 v3, $0x7  }
0x1f: {  	s29 =	simm.s32 $0x1;
	v11 =	vand.u32 $0xF, v10;
	v3 =	vor.u32 v2, v3  }
0x20: {  	v20 =	vadd.s32 s29, v0;
	v12 =	vor.u32 v3, v11  }
0x21: {  	v20 =	vand.u32 $0xF, v20  }
0x22: {  	v21 =	vor.u32 v3, v20  }
0x23: {  	v4 =	vor.u32 $0x10, v3  }
0x24: {  	v5 =	vor.u32 $0x60, v3;
	v9 =	vor.u32 v4, v10  }
0x25: {  	v6 =	vor.u32 $0x20, v3;
	v13 =	vor.u32 v5, v11;
	v18 =	vld.idx.msk [tilespmem:v12+s9+$0x0], $0xffff  }
0x26: {  	v7 =	vor.u32 $0x70, v3;
	v14 =	vor.u32 v6, v11;
	v12 =	vld.idx.msk [tilespmem:v12+s11+$0x0], $0xffff  }
0x27: {  	v8 =	vor.u32 $0x30, v3;
	v15 =	vor.u32 v7, v10;
	v29 =	vld.idx.msk [tilespmem:v21+s11+$0x0], $0xffff  }
0x28: {  	v17 =	vor.u32 v8, v10;
	v21 =	vld.idx.msk [tilespmem:v21+s9+$0x0], $0xffff  }
0x29: {  	v23 =	vor.u32 v4, v20;
	v16 =	vld.idx.msk [tilespmem:v9+s11+$0x0], $0xffff  }
0x2a: {  	v25 =	vor.u32 v7, v20;
	v13 =	vld.idx.msk [tilespmem:v13+s11+$0x0], $0xffff  }
0x2b: {  	v26 =	vor.u32 v8, v20;
	v14 =	vld.idx.msk [tilespmem:v14+s11+$0x0], $0xffff  }
0x2c: {  	v9 =	vor.u32 $0x50, v3;
	v15 =	vld.idx.msk [tilespmem:v15+s11+$0x0], $0xffff  }
0x2d: {  	v17 =	vld.idx.msk [tilespmem:v17+s11+$0x0], $0xffff;
	v19 =	vor.u32 v9, v10;
	v10 =	vor.u32 $0x40, v3  }
0x2e: {  	v24 =	vor.u32 v6, v20;
	v23 =	vld.idx.msk [tilespmem:v23+s11+$0x0], $0xffff;
	v11 =	vor.u32 v10, v11  }
0x2f: {  	v28 =	vor.u32 v5, v20;
	v25 =	vld.idx.msk [tilespmem:v25+s11+$0x0], $0xffff;
	v27 =	vor.u32 v9, v20;
	v12 =	vsub.f32 v18, v12  }
0x30: {  	v26 =	vld.idx.msk [tilespmem:v26+s11+$0x0], $0xffff;
	v20 =	vor.u32 v10, v20;
	v29 =	vsub.f32 v21, v29;
	v16 =	vsub.f32 v18, v16  }
0x31: {  	v14 =	vsub.f32 v18, v14;
	v13 =	vsub.f32 v18, v13  }
0x32: {  	v22 =	vimm.f32 $0.0e+00;
	v15 =	vsub.f32 v18, v15;
	v17 =	vsub.f32 v18, v17;
	v19 =	vld.idx.msk [tilespmem:v19+s11+$0x0], $0xffff  }
0x33: {  	v42 =	vsub.f32 v21, v23;
	v12 =	vmul.f32 v12, v12;
	v29 =	vmul.f32 v29, v29;
	v11 =	vld.idx.msk [tilespmem:v11+s11+$0x0], $0xffff  }
0x34: {  	v25 =	vsub.f32 v21, v25;
	v16 =	vmul.f32 v16, v16;
	v14 =	vmul.f32 v14, v14  }
0x35: {  	s30 =	simm.s32 $0x2;
	v48 =	vsub.f32 v21, v26;
	v13 =	vmul.f32 v13, v13;
	v15 =	vmul.f32 v15, v15;
	v20 =	vld.idx.msk [tilespmem:v20+s11+$0x0], $0xffff  }
0x36: {  	v30 =	vadd.f32 v14, v22;
	v14 =	vmul.f32 v17, v17;
	v17 =	vld.idx.msk [tilespmem:v24+s11+$0x0], $0xffff;
	v24 =	vadd.s32 s30, v0  }
0x37: {  	v36 =	vadd.f32 v16, v22;
	v38 =	vor.u32 v7, v24;
	v16 =	vsub.f32 v18, v19;
	v19 =	vld.idx.msk [tilespmem:v27+s11+$0x0], $0xffff  }
0x38: {  	v27 =	vand.u32 $0xF, v24;
	v11 =	vsub.f32 v18, v11;
	v18 =	vld.idx.msk [tilespmem:v28+s11+$0x0], $0xffff;
	v28 =	vor.u32 v4, v24  }
0x39: {  	v26 =	vmul.f32 v25, v25;
	v63 =	vmul.f32 v42, v42;
	v31 =	vor.u32 v3, v27  }
0x3a: {  	v12 =	vadd.f32 v12, v22;
	v37 =	vadd.f32 v15, v22;
	v35 =	vor.u32 v9, v24  }
0x3b: {  	v32 =	vor.u32 v6, v27;
	v34 =	vor.u32 v10, v27;
	v27 =	vor.u32 v5, v27  }
0x3c: {  	v15 =	vadd.f32 v14, v22;
	v36 =	vadd.f32 v63, v36;
	v16 =	vmul.f32 v16, v16;
	v50 =	vld.idx.msk [tilespmem:v38+s11+$0x0], $0xffff  }
0x3d: {  	s31 =	simm.s32 $0x3;
	v24 =	vor.u32 v8, v24;
	v20 =	vsub.f32 v21, v20;
	v39 =	vmul.f32 v11, v11;
	v41 =	vld.idx.msk [tilespmem:v28+s11+$0x0], $0xffff  }
0x3e: {  	v33 =	vadd.f32 v16, v22;
	v16 =	vadd.f32 v13, v22;
	v13 =	vadd.s32 s31, v0;
	v11 =	vld.idx.msk [tilespmem:v31+s9+$0x0], $0xffff  }
0x3f: {  	v40 =	vsub.f32 v21, v19;
	v23 =	vand.u32 $0xF, v13;
	v13 =	vsub.f32 v21, v17;
	v43 =	vld.idx.msk [tilespmem:v31+s11+$0x0], $0xffff  }
0x40: {  	v62 =	vadd.f32 v39, v22;
	v17 =	vsub.f32 v21, v18;
	v44 =	vor.u32 v3, v23;
	v45 =	vld.idx.msk [tilespmem:v27+s11+$0x0], $0xffff  }
0x41: {  	v18 =	vor.u32 v4, v23;
	v46 =	vor.u32 v6, v23;
	v47 =	vld.idx.msk [tilespmem:v32+s11+$0x0], $0xffff;
	v49 =	vor.u32 v9, v23  }
0x42: {  	v19 =	vor.u32 v7, v23;
	v14 =	vor.u32 v8, v23;
	v27 =	vld.idx.msk [tilespmem:v24+s11+$0x0], $0xffff;
	v31 =	vmul.f32 v13, v13  }
0x43: {  	v28 =	vor.u32 v5, v23;
	v13 =	vor.u32 v10, v23;
	v23 =	vld.idx.msk [tilespmem:v34+s11+$0x0], $0xffff;
	v22 =	vmul.f32 v40, v40  }
0x44: {  	v21 =	vadd.f32 v26, v37;
	v25 =	vadd.f32 v31, v30;
	v31 =	vld.idx.msk [tilespmem:v35+s11+$0x0], $0xffff  }
0x45: {  	v30 =	vadd.f32 v29, v12;
	v12 =	vmul.f32 v20, v20;
	v26 =	vadd.f32 v22, v33;
	v24 =	vld.idx.msk [tilespmem:v44+s11+$0x0], $0xffff  }
0x46: {  	v32 =	vmul.f32 v17, v17;
	v29 =	vsub.f32 v11, v45;
	v17 =	vsub.f32 v11, v43;
	v22 =	vld.idx.msk [tilespmem:v49+s11+$0x0], $0xffff  }
0x47: {  	v33 =	vmul.f32 v48, v48;
	v12 =	vadd.f32 v12, v62;
	v38 =	vsub.f32 v11, v41;
	v20 =	vld.idx.msk [tilespmem:v46+s11+$0x0], $0xffff  }
0x48: {  	s18 =	simm.s32 $0x4;
	v35 =	vsub.f32 v11, v47;
	v34 =	vsub.f32 v11, v50;
	v37 =	vmul.f32 v17, v17;
	v17 =	vld.idx.msk [tilespmem:v44+s9+$0x0], $0xffff  }
.LBB2_3:
0x49: {  	p0 =	sne.s32 s18, $0xE;
	v38 =	vmul.f32 v38, v38;
	v27 =	vsub.f32 v11, v27;
	v28 =	vld.idx.msk [tilespmem:v28+s11+$0x0], $0xffff;
	v16 =	vadd.f32 v32, v16;
	s19 =	smov.u32 s18;
	s18 =	sadd.s32 $0x2, s18  }
0x4a: {  	v32 =	vmul.f32 v35, v35;
	v15 =	vadd.f32 v33, v15;
	v30 =	vadd.f32 v37, v30;
	v18 =	vld.idx.msk [tilespmem:v18+s11+$0x0], $0xffff  }
0x4b: {  	v29 =	vmul.f32 v29, v29;
	v31 =	vsub.f32 v11, v31;
	v36 =	vadd.f32 v38, v36;
	v19 =	vld.idx.msk [tilespmem:v19+s11+$0x0], $0xffff  }
0x4c: {  	v25 =	vadd.f32 v32, v25;
	v27 =	vmul.f32 v27, v27;
	v32 =	vmul.f32 v34, v34  }
0x4d: {  	v33 =	vadd.s32 s19, v0;
	v11 =	vsub.f32 v11, v23;
	v23 =	vmul.f32 v31, v31  }
0x4e: {  	v34 =	vor.u32 v4, v33;
	v31 =	vand.u32 $0xF, v33;
	v24 =	vsub.f32 v17, v24  }
0x4f: {  	v35 =	vor.u32 v3, v31;
	v37 =	vor.u32 v6, v31;
	v26 =	vadd.f32 v23, v26  }
0x50: {  	v38 =	vor.u32 v9, v33;
	v21 =	vadd.f32 v32, v21;
	v23 =	vor.u32 v10, v31  }
0x51: {  	v39 =	vmul.f32 v11, v11;
	v32 =	vor.u32 v7, v33;
	v31 =	vor.u32 v5, v31;
	v40 =	vld.idx.msk [tilespmem:v14+s11+$0x0], $0xffff  }
0x52: {  	s19 =	sadd.s32 $0x1, s19;
	v16 =	vadd.f32 v29, v16;
	v33 =	vor.u32 v8, v33;
	v22 =	vsub.f32 v17, v22;
	v29 =	vld.idx.msk [tilespmem:v13+s11+$0x0], $0xffff  }
0x53: {  	v15 =	vadd.f32 v27, v15;
	v41 =	vsub.f32 v17, v18;
	v13 =	vadd.s32 s19, v0;
	v34 =	vld.idx.msk [tilespmem:v34+s11+$0x0], $0xffff  }
0x54: {  	v42 =	vand.u32 $0xF, v13;
	v13 =	vsub.f32 v17, v20;
	v20 =	vsub.f32 v17, v28;
	v11 =	vld.idx.msk [tilespmem:v35+s9+$0x0], $0xffff  }
0x55: {  	v44 =	vsub.f32 v17, v19;
	v43 =	vor.u32 v3, v42;
	v18 =	vor.u32 v4, v42;
	v35 =	vld.idx.msk [tilespmem:v35+s11+$0x0], $0xffff  }
0x56: {  	v46 =	vor.u32 v6, v42;
	v19 =	vor.u32 v7, v42;
	v45 =	vld.idx.msk [tilespmem:v31+s11+$0x0], $0xffff;
	v31 =	vmul.f32 v13, v13  }
0x57: {  	v14 =	vor.u32 v8, v42;
	v13 =	vor.u32 v10, v42;
	v40 =	vsub.f32 v17, v40;
	v37 =	vld.idx.msk [tilespmem:v37+s11+$0x0], $0xffff  }
0x58: {  	v47 =	vor.u32 v9, v42;
	v28 =	vor.u32 v5, v42;
	v27 =	vld.idx.msk [tilespmem:v33+s11+$0x0], $0xffff;
	v33 =	vmul.f32 v44, v44  }
0x59: {  	v17 =	vsub.f32 v17, v29;
	v44 =	vmul.f32 v24, v24;
	v25 =	vadd.f32 v31, v25;
	v42 =	vld.idx.msk [tilespmem:v32+s11+$0x0], $0xffff  }
0x5a: {  	v12 =	vadd.f32 v39, v12;
	v22 =	vmul.f32 v22, v22;
	v32 =	vmul.f32 v20, v20;
	v23 =	vld.idx.msk [tilespmem:v23+s11+$0x0], $0xffff  }
.Ltmp0:
0x5b: {  	v17 =	vmul.f32 v17, v17;
	v30 =	vadd.f32 v44, v30;
	v21 =	vadd.f32 v33, v21;
	v24 =	vld.idx.msk [tilespmem:v43+s11+$0x0], $0xffff;
	(pc) =	sbr.rel @p0 .LBB2_3-.Ltmp0, $4  }
0x5c: {  	v26 =	vadd.f32 v22, v26;
	v33 =	vmul.f32 v40, v40;
	v29 =	vsub.f32 v11, v45;
	v31 =	vld.idx.msk [tilespmem:v38+s11+$0x0], $0xffff  }
0x5d: {  	v39 =	vsub.f32 v11, v35;
	v40 =	vmul.f32 v41, v41;
	v12 =	vadd.f32 v17, v12;
	v22 =	vld.idx.msk [tilespmem:v47+s11+$0x0], $0xffff  }
0x5e: {  	v38 =	vsub.f32 v11, v34;
	v35 =	vsub.f32 v11, v37;
	v20 =	vld.idx.msk [tilespmem:v46+s11+$0x0], $0xffff  }
0x5f: {  	v37 =	vmul.f32 v39, v39;
	v36 =	vadd.f32 v40, v36;
	v34 =	vsub.f32 v11, v42;
	v17 =	vld.idx.msk [tilespmem:v43+s9+$0x0], $0xffff  }
0x60: {  	_ =	sdelay $0x1  }
0x61: {  	v3 =	vmul.f32 v38, v38;
	v4 =	vsub.f32 v11, v27  }
0x62: {  	v5 =	vadd.f32 v32, v16;
	v8 =	vmul.f32 v35, v35;
	v15 =	vadd.f32 v33, v15  }
0x63: {  	v10 =	vld.idx.msk [tilespmem:v18+s11+$0x0], $0xffff;
	v48 =	vmul.f32 v29, v29;
	v49 =	vsub.f32 v11, v23;
	v7 =	vadd.f32 v37, v30  }
0x64: {  	v6 =	vld.idx.msk [tilespmem:v28+s11+$0x0], $0xffff;
	v9 =	vsub.f32 v11, v31;
	v47 =	vmul.f32 v34, v34;
	v3 =	vadd.f32 v3, v36  }
0x65: {  	v14 =	vld.idx.msk [tilespmem:v14+s11+$0x0], $0xffff;
	v8 =	vadd.f32 v8, v25;
	v4 =	vmul.f32 v4, v4;
	v5 =	vadd.f32 v48, v5  }
0x66: {  	v13 =	vld.idx.msk [tilespmem:v13+s11+$0x0], $0xffff;
	v11 =	vmul.f32 v49, v49;
	v18 =	vadd.f32 v47, v21;
	v50 =	vsub.f32 v17, v24  }
0x67: {  	v9 =	vmul.f32 v9, v9;
	v51 =	vsub.f32 v17, v22;
	v4 =	vadd.f32 v4, v15  }
0x68: {  	v46 =	vld.idx.msk [tilespmem:v19+s11+$0x0], $0xffff;
	v52 =	vsub.f32 v17, v20;
	v10 =	vsub.f32 v17, v10  }
0x69: {  	v54 =	vadd.f32 v11, v12;
	v9 =	vadd.f32 v9, v26  }
0x6a: {  	v14 =	vsub.f32 v17, v14;
	v53 =	vmul.f32 v50, v50;
	v10 =	vmul.f32 v10, v10  }
0x6b: {  	v6 =	vsub.f32 v17, v6;
	v13 =	vsub.f32 v17, v13;
	v15 =	vmul.f32 v52, v52  }
0x6c: {  	v14 =	vmul.f32 v14, v14;
	v7 =	vadd.f32 v53, v7;
	v3 =	vadd.f32 v10, v3  }
0x6d: {  	v16 =	vsub.f32 v17, v46;
	v55 =	vmul.f32 v13, v13;
	v8 =	vadd.f32 v15, v8  }
0x6e: {  	v56 =	vmul.f32 v51, v51;
	v4 =	vadd.f32 v14, v4;
	v3 =	vmin.f32 v7, v3  }
0x6f: {  	v6 =	vmul.f32 v6, v6;
	v57 =	vadd.f32 v55, v54;
	v3 =	vmin.f32 v3, v8  }
0x70: {  	v58 =	vmul.f32 v16, v16;
	v9 =	vadd.f32 v56, v9;
	v3 =	vmin.f32 v3, v4  }
0x71: {  	v59 =	vadd.f32 v6, v5;
	v3 =	vmin.f32 v3, v57  }
0x72: {  	v60 =	vadd.f32 v58, v18;
	v3 =	vmin.f32 v3, v9  }
0x73: {  	v3 =	vmin.f32 v3, v59  }
0x74: {  	v3 =	vmin.f32 v3, v60  }
0x75: {  	v61 =	vshra.s32 v3, $0x1;
	v5 =	vmul.f32 $5.000000000e-01, v3  }
0x76: {  	v4 =	vsub.s32 $0x5F3759DF, v61  }
0x77: {  	v62 =	vmul.f32 v4, v5;
	_ =	sdelay $0x1  }
0x78: {  	v6 =	vmul.f32 v4, v62;
	_ =	sdelay $0x1  }
0x79: {  	v6 =	vsub.f32 $1.500000000e+00, v6;
	_ =	sdelay $0x1  }
0x7a: {  	v4 =	vmul.f32 v4, v6;
	_ =	sdelay $0x1  }
0x7b: {  	v6 =	vmul.f32 v4, v5;
	_ =	sdelay $0x1  }
0x7c: {  	v6 =	vmul.f32 v6, v4;
	_ =	sdelay $0x1  }
0x7d: {  	v6 =	vsub.f32 $1.500000000e+00, v6;
	_ =	sdelay $0x1  }
0x7e: {  	v4 =	vmul.f32 v6, v4;
	_ =	sdelay $0x1  }
0x7f: {  	v5 =	vmul.f32 v4, v5;
	_ =	sdelay $0x1  }
0x80: {  	v5 =	vmul.f32 v5, v4;
	_ =	sdelay $0x1  }
0x81: {  	v5 =	vsub.f32 $1.500000000e+00, v5  }
0x82: {  	v63 =	vld [tilespmem:$0x10100]  }
0x83: {  	s17 =	sadd.s32 $0x1, s17;
	v4 =	vmul.f32 v5, v4  }
0x84: {  	p0 =	sne.s32 s17, $0x8  }
.Ltmp1:
0x85: {  	v3 =	vmul.f32 v4, v3;
	(pc) =	sbr.rel @p0 .LBB2_2-.Ltmp1, $3  }
0x86: {  	_ = 	snop  }
0x87: {  	v3 =	vadd.f32 v63, v3;
	_ =	sdelay $0x1  }
0x88: {  	[tilespmem:$0x10100] =	vst v3  }
0x89: {  	_ =	swait.ge [sflag:s14], $0x4000  }
0x8a: {  	[sflag:s14] =	ssyncset.done $0x0  }
0x8b: {  	s17 =	simm.s32 $0x0;
	s18 =	simm.s32 $0x0;
	[sflag:s14] =	ssyncadd.s32 $0xFFFFC000  }
.LBB2_6:
0x8c: {  	s19 =	sshll.u32 s18, $0x4  }
0x8d: {  	v3 =	vmov s19  }
0x8e: {  	v3 =	vshll.u32 v3, $0x7  }
0x8f: {  	v12 =	vadd.s32 s17, v0;
	s19 =	sor.u32 $0x80, s19;
	v11 =	vor.u32 v2, v3  }
0x90: {  	v10 =	vand.u32 $0xF, v12;
	v4 =	vmov s19;
	v3 =	vadd.s32 $0x4010, v11  }
0x91: {  	v5 =	vshll.u32 v4, $0x7;
	v4 =	vadd.s32 $0x4000, v11;
	v13 =	vor.u32 v12, v3  }
0x92: {  	v5 =	vor.u32 v2, v5;
	v14 =	vor.u32 v4, v10  }
0x93: {  	v6 =	vadd.s32 $0x4020, v11;
	v15 =	vor.u32 v5, v10  }
0x94: {  	v7 =	vadd.s32 $0x4060, v11;
	v16 =	vor.u32 v10, v6  }
0x95: {  	s31 =	simm.s32 $0x1;
	v8 =	vadd.s32 $0x4030, v11;
	v17 =	vor.u32 v10, v7  }
0x96: {  	v18 =	vadd.s32 s31, v0;
	v9 =	vadd.s32 $0x4040, v11;
	v19 =	vor.u32 v12, v8;
	v13 =	vld.idx.msk [tilespmem:v13+s11+$0x0], $0xffff  }
0x97: {  	v18 =	vand.u32 $0xF, v18;
	v20 =	vor.u32 v10, v9;
	v14 =	vld.idx.msk [tilespmem:v14+s11+$0x0], $0xffff  }
0x98: {  	v22 =	vor.u32 v18, v3;
	v15 =	vld.idx.msk [tilespmem:v15+s9+$0x0], $0xffff  }
0x99: {  	v10 =	vadd.s32 $0x4070, v11;
	v11 =	vadd.s32 $0x4050, v11;
	v27 =	vor.u32 v18, v8;
	v24 =	vld.idx.msk [tilespmem:v16+s11+$0x0], $0xffff  }
0x9a: {  	v23 =	vor.u32 v12, v10;
	v12 =	vor.u32 v12, v11;
	v26 =	vld.idx.msk [tilespmem:v17+s11+$0x0], $0xffff  }
0x9b: {  	v31 =	vimm.f32 $0.0e+00;
	v29 =	vld.idx.msk [tilespmem:v19+s11+$0x0], $0xffff  }
0x9c: {  	v32 =	vimm.f32 $0.0e+00;
	v38 =	vor.u32 v5, v18;
	v39 =	vor.u32 v18, v9;
	v25 =	vld.idx.msk [tilespmem:v20+s11+$0x0], $0xffff  }
0x9d: {  	v21 =	vor.u32 v18, v10;
	v28 =	vor.u32 v18, v11;
	v16 =	vor.u32 v18, v6;
	v19 =	vld.idx.msk [tilespmem:v22+s11+$0x0], $0xffff  }
0x9e: {  	v17 =	vor.u32 v18, v7;
	v27 =	vld.idx.msk [tilespmem:v27+s11+$0x0], $0xffff;
	v22 =	vimm.f32 $0.0e+00;
	v20 =	vsub.f32 v15, v14  }
0x9f: {  	v30 =	vld.idx.msk [tilespmem:v12+s11+$0x0], $0xffff;
	v12 =	vimm.f32 $0.0e+00;
	v13 =	vsub.f32 v15, v13;
	v37 =	vsub.f32 v15, v24  }
0xa0: {  	v23 =	vld.idx.msk [tilespmem:v23+s11+$0x0], $0xffff;
	v14 =	vor.u32 v4, v18;
	v35 =	vsub.f32 v15, v29;
	v34 =	vsub.f32 v15, v26  }
0xa1: {  	v29 =	vimm.f32 $0.0e+00;
	v24 =	vimm.f32 $0.0e+00;
	v18 =	vld.idx.msk [tilespmem:v39+s11+$0x0], $0xffff;
	v36 =	vmul.f32 v20, v20  }
0xa2: {  	s19 =	simm.s32 $0x2;
	v26 =	vimm.f32 $0.0e+00;
	v33 =	vmul.f32 v13, v13;
	v13 =	vld.idx.msk [tilespmem:v38+s9+$0x0], $0xffff;
	v20 =	vimm.f32 $0.0e+00  }
.LBB2_7:
0xa3: {  	p0 =	sne.s32 s19, $0xE;
	v31 =	vadd.f32 v36, v31;
	v36 =	vmul.f32 v37, v37;
	v25 =	vsub.f32 v15, v25;
	s20 =	smov.u32 s19;
	s19 =	sadd.s32 $0x2, s19  }
0xa4: {  	s21 =	sadd.s32 $0x1, s20;
	v32 =	vadd.f32 v33, v32;
	v33 =	vmul.f32 v35, v35;
	v34 =	vmul.f32 v34, v34;
	v21 =	vld.idx.msk [tilespmem:v21+s11+$0x0], $0xffff  }
0xa5: {  	v30 =	vsub.f32 v15, v30;
	v35 =	vadd.s32 s21, v0;
	v29 =	vadd.f32 v36, v29;
	v28 =	vld.idx.msk [tilespmem:v28+s11+$0x0], $0xffff  }
0xa6: {  	v15 =	vsub.f32 v15, v23;
	v25 =	vmul.f32 v25, v25;
	v20 =	vadd.f32 v33, v20;
	v16 =	vld.idx.msk [tilespmem:v16+s11+$0x0], $0xffff  }
0xa7: {  	v23 =	vmul.f32 v30, v30;
	v24 =	vadd.f32 v34, v24;
	v27 =	vsub.f32 v13, v27;
	v17 =	vld.idx.msk [tilespmem:v17+s11+$0x0], $0xffff  }
0xa8: {  	v30 =	vadd.s32 s20, v0;
	v33 =	vsub.f32 v13, v19;
	v26 =	vadd.f32 v25, v26  }
0xa9: {  	v19 =	vand.u32 $0xF, v30;
	v25 =	vor.u32 v30, v3;
	v27 =	vmul.f32 v27, v27  }
0xaa: {  	v34 =	vor.u32 v5, v19;
	v36 =	vor.u32 v4, v19;
	v37 =	vsub.f32 v13, v21  }
0xab: {  	v38 =	vor.u32 v19, v9;
	v21 =	vor.u32 v19, v6;
	v39 =	vsub.f32 v13, v28  }
0xac: {  	v40 =	vor.u32 v30, v11;
	v22 =	vadd.f32 v23, v22;
	v19 =	vor.u32 v19, v7  }
0xad: {  	v23 =	vor.u32 v30, v8;
	v30 =	vor.u32 v30, v10;
	v28 =	vld.idx.msk [tilespmem:v14+s11+$0x0], $0xffff;
	v14 =	vsub.f32 v13, v16  }
0xae: {  	v35 =	vand.u32 $0xF, v35;
	v42 =	vmul.f32 v15, v15;
	v41 =	vld.idx.msk [tilespmem:v25+s11+$0x0], $0xffff;
	v25 =	vsub.f32 v13, v17  }
0xaf: {  	v43 =	vor.u32 v5, v35;
	v44 =	vor.u32 v35, v3;
	v20 =	vadd.f32 v27, v20;
	v36 =	vld.idx.msk [tilespmem:v36+s11+$0x0], $0xffff  }
0xb0: {  	v16 =	vor.u32 v35, v6;
	v27 =	vmul.f32 v14, v14;
	v45 =	vld.idx.msk [tilespmem:v21+s11+$0x0], $0xffff;
	v21 =	vor.u32 v35, v10  }
0xb1: {  	v18 =	vsub.f32 v13, v18;
	v17 =	vor.u32 v35, v7;
	v14 =	vor.u32 v4, v35;
	v15 =	vld.idx.msk [tilespmem:v34+s9+$0x0], $0xffff  }
0xb2: {  	v46 =	vor.u32 v35, v8;
	v47 =	vor.u32 v35, v9;
	v34 =	vld.idx.msk [tilespmem:v19+s11+$0x0], $0xffff;
	v19 =	vmul.f32 v25, v25  }
0xb3: {  	v12 =	vadd.f32 v42, v12;
	v37 =	vmul.f32 v37, v37;
	v13 =	vsub.f32 v13, v28;
	v25 =	vld.idx.msk [tilespmem:v38+s11+$0x0], $0xffff  }
0xb4: {  	v18 =	vmul.f32 v18, v18;
	v29 =	vadd.f32 v27, v29;
	v38 =	vld.idx.msk [tilespmem:v23+s11+$0x0], $0xffff;
	v24 =	vadd.f32 v19, v24  }
0xb5: {  	v12 =	vadd.f32 v37, v12;
	v27 =	vmul.f32 v33, v33;
	v28 =	vor.u32 v35, v11;
	v19 =	vld.idx.msk [tilespmem:v44+s11+$0x0], $0xffff  }
.Ltmp2:
0xb6: {  	v26 =	vadd.f32 v18, v26;
	v18 =	vmul.f32 v39, v39;
	v13 =	vmul.f32 v13, v13;
	v23 =	vld.idx.msk [tilespmem:v30+s11+$0x0], $0xffff;
	(pc) =	sbr.rel @p0 .LBB2_7-.Ltmp2, $4  }
0xb7: {  	v32 =	vadd.f32 v27, v32;
	v33 =	vsub.f32 v15, v36;
	v30 =	vld.idx.msk [tilespmem:v40+s11+$0x0], $0xffff  }
0xb8: {  	v35 =	vsub.f32 v15, v41;
	v31 =	vadd.f32 v13, v31;
	v27 =	vld.idx.msk [tilespmem:v46+s11+$0x0], $0xffff  }
0xb9: {  	v22 =	vadd.f32 v18, v22;
	v37 =	vsub.f32 v15, v45;
	v36 =	vmul.f32 v33, v33;
	v13 =	vld.idx.msk [tilespmem:v43+s9+$0x0], $0xffff  }
0xba: {  	v34 =	vsub.f32 v15, v34;
	v33 =	vmul.f32 v35, v35;
	v35 =	vsub.f32 v15, v38;
	v18 =	vld.idx.msk [tilespmem:v47+s11+$0x0], $0xffff  }
0xbb: {  	_ =	sdelay $0x2  }
0xbc: {  	v4 =	vadd.f32 v36, v31;
	v5 =	vmul.f32 v37, v37  }
0xbd: {  	v7 =	vsub.f32 v15, v25;
	v10 =	vld.idx.msk [tilespmem:v14+s11+$0x0], $0xffff;
	v53 =	vsub.f32 v15, v23;
	v9 =	vmul.f32 v35, v35  }
0xbe: {  	v16 =	vld.idx.msk [tilespmem:v16+s11+$0x0], $0xffff;
	v8 =	vadd.f32 v33, v32;
	v11 =	vmul.f32 v34, v34;
	v52 =	vsub.f32 v15, v30  }
0xbf: {  	v3 =	vld.idx.msk [tilespmem:v21+s11+$0x0], $0xffff;
	v5 =	vadd.f32 v5, v29;
	v7 =	vmul.f32 v7, v7;
	v9 =	vadd.f32 v9, v20  }
0xc0: {  	v6 =	vld.idx.msk [tilespmem:v28+s11+$0x0], $0xffff;
	v11 =	vadd.f32 v11, v24;
	v54 =	vsub.f32 v13, v27  }
0xc1: {  	v15 =	vmul.f32 v53, v53;
	v19 =	vsub.f32 v13, v19;
	v7 =	vadd.f32 v7, v26  }
0xc2: {  	v17 =	vld.idx.msk [tilespmem:v17+s11+$0x0], $0xffff;
	v55 =	vsub.f32 v13, v18;
	v10 =	vsub.f32 v13, v10  }
0xc3: {  	v14 =	vmul.f32 v52, v52;
	v58 =	vadd.f32 v15, v12;
	v16 =	vsub.f32 v13, v16  }
0xc4: {  	v3 =	vsub.f32 v13, v3;
	v19 =	vmul.f32 v19, v19;
	v10 =	vmul.f32 v10, v10  }
0xc5: {  	v6 =	vsub.f32 v13, v6;
	v14 =	vadd.f32 v14, v22;
	v16 =	vmul.f32 v16, v16  }
0xc6: {  	v20 =	vmul.f32 v54, v54;
	v8 =	vadd.f32 v19, v8;
	v4 =	vadd.f32 v10, v4  }
0xc7: {  	v17 =	vsub.f32 v13, v17;
	v56 =	vmul.f32 v55, v55;
	v5 =	vadd.f32 v16, v5  }
0xc8: {  	v9 =	vadd.f32 v20, v9;
	v6 =	vmul.f32 v6, v6;
	v4 =	vmin.f32 v4, v8  }
0xc9: {  	v57 =	vmul.f32 v17, v17;
	v7 =	vadd.f32 v56, v7;
	v4 =	vmin.f32 v4, v5  }
0xca: {  	v3 =	vmul.f32 v3, v3;
	v59 =	vadd.f32 v6, v14;
	v4 =	vmin.f32 v4, v9  }
0xcb: {  	v60 =	vadd.f32 v57, v11;
	v4 =	vmin.f32 v4, v7  }
0xcc: {  	v3 =	vadd.f32 v3, v58;
	v4 =	vmin.f32 v4, v59  }
0xcd: {  	v4 =	vmin.f32 v4, v60  }
0xce: {  	v3 =	vmin.f32 v4, v3  }
0xcf: {  	v4 =	vshra.s32 v3, $0x1;
	v61 =	vmul.f32 $5.000000000e-01, v3  }
0xd0: {  	v4 =	vsub.s32 $0x5F3759DF, v4  }
0xd1: {  	v62 =	vmul.f32 v4, v61;
	_ =	sdelay $0x1  }
0xd2: {  	v6 =	vmul.f32 v4, v62;
	_ =	sdelay $0x1  }
0xd3: {  	v6 =	vsub.f32 $1.500000000e+00, v6;
	_ =	sdelay $0x1  }
0xd4: {  	v4 =	vmul.f32 v4, v6;
	_ =	sdelay $0x1  }
0xd5: {  	v6 =	vmul.f32 v4, v61;
	_ =	sdelay $0x1  }
0xd6: {  	v6 =	vmul.f32 v6, v4;
	_ =	sdelay $0x1  }
0xd7: {  	v6 =	vsub.f32 $1.500000000e+00, v6;
	_ =	sdelay $0x1  }
0xd8: {  	v4 =	vmul.f32 v6, v4;
	_ =	sdelay $0x1  }
0xd9: {  	v5 =	vmul.f32 v4, v61;
	_ =	sdelay $0x1  }
0xda: {  	v5 =	vmul.f32 v5, v4;
	_ =	sdelay $0x1  }
0xdb: {  	v5 =	vsub.f32 $1.500000000e+00, v5  }
0xdc: {  	v63 =	vld [tilespmem:$0x10100]  }
0xdd: {  	s18 =	sadd.s32 $0x1, s18;
	v4 =	vmul.f32 v5, v4  }
0xde: {  	p0 =	sne.s32 s18, $0x8  }
.Ltmp3:
0xdf: {  	v3 =	vmul.f32 v4, v3;
	(pc) =	sbr.rel @p0 .LBB2_6-.Ltmp3, $3  }
0xe0: {  	_ = 	snop  }
0xe1: {  	v3 =	vadd.f32 v63, v3;
	_ =	sdelay $0x1  }
0xe2: {  	[tilespmem:$0x10100] =	vst v3  }
0xe3: {  	s16 =	sadd.s32 $0x1, s16  }
0xe4: {  	p0 =	sne.s32 s16, s7  }
.Ltmp4:
0xe5: {  	_ = 	snop;
	(pc) =	sbr.rel @p0 .LBB2_1-.Ltmp4, $4  }
0xe6: {  	[hbm4b:s6+s2] =	stream.linear.scatter [tilespmem:s15], [sflag:$0x3], $0x80, $0x38;
	[tilespmem:$0x10180] =	vst v63  }
0xe7: {  	_ =	swait.ge [sflag:s8], $0x80  }
0xe8: {  	[sflag:s8] =	ssyncset.done $0x0  }
0xe9: {  	[sflag:s8] =	ssyncadd.s32 $0xFFFFFF80  }
0xea: {  	_ =	sfence.sel $0x180000  }
0xeb: {  	[bflag:$0x0] =	sbarrier.arrive $0xFFFF  }
0xec: {  	p0 =	sne.s32 s0, $0x0;
	_ =	strace $0x9000004A  }
0xed: {  	s0 =	sadd.s32 @!p0 $0x100000, s1;
	[bflag:$0x2] =	sbarrier.arrive $0xFFFF  }
0xee: {  	[sflag:s0] =	ssyncadd.tile.s32 @!p0 $0x1;
	_ =	shalt  }
.Lfunc_end2:
_tile_overlayer_lowered:
.L_overlay_start_2:
0xef: {  	(tag) =	ssettag $0x2  }
0xf0: {  	s0 =	rddreg [dreg:$0x0];
	s2 =	stileid.u32  }
0xf1: {  	s1 =	rddreg [dreg:$0x1];
	p0 =	sne.s32 s2, $0x0  }
0xf2: {  	s3 =	rddreg [dreg:$0x2];
	[bflag:$0x3] =	sbarrier.arrive $0xFFFF;
	s2 =	simm.s32 @!p0 $0x1C03  }
0xf3: {  	[timem:s3], [sflag:s2] =	dma.local @!p0 [hbm:s0], s1  }
0xf4: {  	s0 =	simm.s32 @!p0 $0x3  }
0xf5: {  	_ =	swait.ge @!p0 [sflag:s0], s1  }
0xf6: {  	s1 =	ssub.s32 @!p0 $0x0, s1;
	[sflag:s0] =	ssyncset.done @!p0 $0x0  }
0xf7: {  	[sflag:s0] =	ssyncadd.s32 @!p0 s1  }
0xf8: {  	[bflag:$0x3] =	sbarrier.arrive $0xFFFF  }
0xf9: {  	_ =	shalt  }

// kernel: kernel.9.cloned.1.call-start
scs
__scs_entry_jumppad:
0x0: {  	(pc) =	sbr.rel $0x88, $3  }
0x1: {  	(tag) =	ssettag $0x0;
	lr =	simm.s32 $0x1  }
0x2: {  	[smem:$0x3F9E] =	sst lr;
	_ =	strace $0xD0000000  }
0x3: {  	_ = 	snop  }
0x4: {  	_ = 	snop  }
0x5: {  	_ = 	snop  }
0x6: {  	_ = 	snop  }
0x7: {  	_ = 	snop  }
__scs_overlays_trampoline_lowered:
0x8: {  	[smem:$0x3FAD] =	sst s0  }
0x9: {  	[smem:$0x3FAE] =	sst s1  }
0xa: {  	[smem:$0x3FAF] =	sst s2  }
0xb: {  	[smem:$0x3FB0] =	sst s3  }
0xc: {  	[smem:$0x3FB1] =	sst s4  }
0xd: {  	[smem:$0x3FB2] =	sst s5  }
0xe: {  	[smem:$0x3FB3] =	sst s6  }
0xf: {  	[smem:$0x3FB4] =	sst s7  }
0x10: {  	[smem:$0x3FB5] =	sst s8  }
0x11: {  	[smem:$0x3FB6] =	sst s9;
	s0 =	simm.s32 @!p0 $0x0  }
0x12: {  	s1 =	sld [smem:$0x3F9C];
	s0 =	simm.s32 @p0 $0x1  }
0x13: {  	[smem:$0x3FB7] =	sst s0;
	s0 =	simm.s32 @!p1 $0x0  }
0x14: {  	s2 =	sld [smem:$0x3F9B];
	s0 =	simm.s32 @p1 $0x1  }
0x15: {  	[smem:$0x3FB8] =	sst s0;
	s0 =	simm.s32 @!p2 $0x0  }
0x16: {  	s3 =	sld [smem:$0x3FDB];
	s0 =	simm.s32 @p2 $0x1  }
0x17: {  	s4 =	simm.s32 $0x1BF5;
	[smem:$0x3FBA] =	sst s0  }
0x18: {  	s0 =	sld [smem:$0x3F9D];
	_ =	swait.ge [sflag:s4], $0x0  }
0x19: {  	s7 =	sld [smem:$0x3F9E]  }
0x1a: {  	s8 =	sadd.s32 $0xFFFFE003, lr  }
0x1b: {  	s9 =	sadd.s32 $0xFFFFFEF7, lr;
	s5 =	simm.s32 $0xFFFFFFFF;
	p2 =	slt.u32 s8, $0xFFFFF086  }
0x1c: {  	p1 =	slt.u32 s9, $0xF7A;
	s5 =	simm.s32 @!p2 $0x0  }
0x1d: {  	s5 =	simm.s32 @p1 $0x1;
	p0 =	seq.s32 s7, s2  }
0x1e: {  	s7 =	smul.u32 @!p0 $0xF7A, s2;
	p2 =	seq.s32 @!p0 s5, $0x0  }
0x1f: {  	s9 =	smul.u32 $0xF7A, s1;
	s8 =	simm.s32 @!p0 $0x1BF5;
	p2 =	por !p2, p0  }
0x20: {  	[sflag:s8] =	ssyncset.s32 @!p0 $0xFFFFF086;
	s6 =	sadd.s32 @!p0 s3, s7;
	s7 =	simm.s32 @!p0 $0x108  }
0x21: {  	s3 =	sadd.s32 s3, s9;
	s6 =	sadd.s32 @!p0 $0x88, s6;
	s7 =	simm.s32 @p2 $0x1082  }
0x22: {  	[simem:s7], [sflag:s8] =	dma.local @!p0 [hbm:s6], $0xF7A  }
0x23: {  	s9 =	sor.u32 $0xD0000000, s2;
	s6 =	simm.s32 $0x108;
	_ =	swait.ge @!p0 [sflag:s8], $0x0  }
0x24: {  	s3 =	sadd.s32 $0x88, s3;
	s6 =	simm.s32 @!p1 $0x1082;
	[sflag:s4] =	ssyncset.s32 $0xFFFFF086  }
0x25: {  	[simem:s6], [sflag:s4] =	dma.local [hbm:s3], $0xF7A  }
0x26: {  	[smem:$0x3F9E] =	sst s1;
	(tag) =	ssettag s2;
	_ =	strace s9  }
0x27: {  	s1 =	sld [smem:$0x3FAE]  }
0x28: {  	s2 =	sld [smem:$0x3FAF]  }
0x29: {  	s4 =	sld [smem:$0x3FB1]  }
0x2a: {  	p0 =	seq.s32 s5, $0x0;
	s5 =	sld [smem:$0x3FB2]  }
0x2b: {  	s6 =	sld [smem:$0x3FB3]  }
0x2c: {  	s7 =	sld [smem:$0x3FB4]  }
0x2d: {  	s3 =	simm.s32 $0x108;
	s8 =	sld [smem:$0x3FB5]  }
0x2e: {  	s3 =	simm.s32 @!p0 $0x1082;
	s9 =	sld [smem:$0x3FB6]  }
0x2f: {  	lr =	sadd.s32 s0, s3;
	s0 =	sld [smem:$0x3FAD]  }
0x30: {  	s3 =	sld [smem:$0x3FB0]  }
0x31: {  	[smem:$0x3FB9] =	sst s10  }
0x32: {  	s10 =	sld [smem:$0x3FB7];
	_ =	sdelay $0x3  }
0x33: {  	p0 =	seq.s32 s10, $0x1;
	s10 =	sld [smem:$0x3FB9];
	_ =	sdelay $0x3  }
0x34: {  	[smem:$0x3FB9] =	sst s10  }
0x35: {  	s10 =	sld [smem:$0x3FB8];
	_ =	sdelay $0x3  }
0x36: {  	p1 =	seq.s32 s10, $0x1;
	s10 =	sld [smem:$0x3FB9];
	_ =	sdelay $0x3  }
0x37: {  	[smem:$0x3FB9] =	sst s10  }
0x38: {  	s10 =	sld [smem:$0x3FBA]  }
0x39: {  	_ = 	snop;
	(pc) =	sbr.ind lr, $3  }
0x3a: {  	_ = 	snop  }
0x3b: {  	_ = 	snop  }
0x3c: {  	p2 =	seq.s32 s10, $0x1;
	s10 =	sld [smem:$0x3FB9]  }
0x3d: {  	_ =	shalt  }
0x3e: {  	_ =	shalt  }
0x3f: {  	_ =	shalt  }
0x40: {  	_ =	shalt  }
0x41: {  	_ =	shalt  }
0x42: {  	_ =	shalt  }
0x43: {  	_ =	shalt  }
0x44: {  	_ =	shalt  }
0x45: {  	_ =	shalt  }
0x46: {  	_ =	shalt  }
0x47: {  	_ =	shalt  }
0x48: {  	_ =	shalt  }
0x49: {  	_ =	shalt  }
0x4a: {  	_ =	shalt  }
0x4b: {  	_ =	shalt  }
0x4c: {  	_ =	shalt  }
0x4d: {  	_ =	shalt  }
0x4e: {  	_ =	shalt  }
0x4f: {  	_ =	shalt  }
0x50: {  	_ =	shalt  }
0x51: {  	_ =	shalt  }
0x52: {  	_ =	shalt  }
0x53: {  	_ =	shalt  }
0x54: {  	_ =	shalt  }
0x55: {  	_ =	shalt  }
0x56: {  	_ =	shalt  }
0x57: {  	_ =	shalt  }
0x58: {  	_ =	shalt  }
0x59: {  	_ =	shalt  }
0x5a: {  	_ =	shalt  }
0x5b: {  	_ =	shalt  }
0x5c: {  	_ =	shalt  }
0x5d: {  	_ =	shalt  }
0x5e: {  	_ =	shalt  }
0x5f: {  	_ =	shalt  }
0x60: {  	_ =	shalt  }
0x61: {  	_ =	shalt  }
0x62: {  	_ =	shalt  }
0x63: {  	_ =	shalt  }
0x64: {  	_ =	shalt  }
0x65: {  	_ =	shalt  }
0x66: {  	_ =	shalt  }
0x67: {  	_ =	shalt  }
0x68: {  	_ =	shalt  }
0x69: {  	_ =	shalt  }
0x6a: {  	_ =	shalt  }
0x6b: {  	_ =	shalt  }
0x6c: {  	_ =	shalt  }
0x6d: {  	_ =	shalt  }
0x6e: {  	_ =	shalt  }
0x6f: {  	_ =	shalt  }
0x70: {  	_ =	shalt  }
0x71: {  	_ =	shalt  }
0x72: {  	_ =	shalt  }
0x73: {  	_ =	shalt  }
0x74: {  	_ =	shalt  }
0x75: {  	_ =	shalt  }
0x76: {  	_ =	shalt  }
0x77: {  	_ =	shalt  }
0x78: {  	_ =	shalt  }
0x79: {  	_ =	shalt  }
0x7a: {  	_ =	shalt  }
0x7b: {  	_ =	shalt  }
0x7c: {  	_ =	shalt  }
0x7d: {  	_ =	shalt  }
0x7e: {  	_ =	shalt  }
0x7f: {  	_ =	shalt  }
0x80: {  	_ =	shalt  }
0x81: {  	_ =	shalt  }
0x82: {  	_ =	shalt  }
0x83: {  	_ =	shalt  }
0x84: {  	_ =	shalt  }
0x85: {  	_ =	shalt  }
0x86: {  	_ =	shalt  }
0x87: {  	_ =	shalt  }
.Lfunc_end0:
.L_simem_size_0:
called_computation.1_lowered:
.L_overlay_start_0:
0x88: {  	s2 =	sld [smem:$0x3FD9]  }
0x89: {  	s3 =	sld [smem:$0x3FFE];
	_ =	sdelay $0x1  }
0x8a: {  	s1 =	srdreg.scid  }
0x8b: {  	s0 =	sand.u32 $0x1, s1  }
0x8c: {  	s16 =	sshll.u32 s0, $0xA;
	s2 =	sadd.s32 s3, s2  }
0x8d: {  	s2 =	sadd.s32 s2, s16  }
0x8e: {  	[smem:$0x3FC5] =	sst s2  }
0x8f: {  	_ = 	snop  }
0x90: {  	(tm) =	ssettm $0x1  }
0x91: {  	s17 =	sld [smem:$0x3FFB];
	_ =	sdelay $0x3  }
0x92: {  	_ =	strace s17  }
0x93: {  	s2 =	sld [smem:$0x3FFC];
	_ =	sdelay $0x3  }
0x94: {  	_ =	strace s2  }
0x95: {  	s2 =	sld [smem:$0x3FFD];
	_ =	sdelay $0x3  }
0x96: {  	_ =	strace s2  }
0x97: {  	_ =	strace $0x8FFFFFFF  }
0x98: {  	s18 =	sld [smem:$0x3FDB];
	_ =	sdelay $0x1  }
0x99: {  	s19 =	simm.s32 $_scs_section_size  }
0x9a: {  	s4 =	simm.s32 $_size__tile_overlayer_lowered;
	s5 =	simm.s32 $_tile_overlayer_lowered  }
0x9b: {  	s22 =	simm.s32 $0x1BFF;
	s21 =	sshll.u32 s5, $0x1;
	s2 =	sadd.s32 s19, s18  }
0x9c: {  	s6 =	simm.s32 $0x0;
	s20 =	sshll.u32 s4, $0x1;
	s4 =	sadd.s32 s21, s2  }
0x9d: {  	[timem:s6], [sflag:s22] =	dma.local [hbm:s4], s20  }
0x9e: {  	_ =	swait.ge [sflag:s22], s20  }
0x9f: {  	s3 =	ssub.s32 $0x0, s20;
	[sflag:s22] =	ssyncset.done $0x0  }
0xa0: {  	[sflag:s22] =	ssyncadd.s32 s3;
	_ =	sdelay $0x1  }
0xa1: {  	s23 =	simm.s32 $0x1B8B  }
0xa2: {  	_ =	swait.ge [sflag:s23], $0x1  }
0xa3: {  	[sflag:s23] =	ssyncset.done $0x0  }
0xa4: {  	s25 =	simm.s32 $0x1B8E;
	s24 =	sld [smem:$0x3FFE];
	[sflag:s23] =	ssyncadd.s32 $0xFFFFFFFF  }
0xa5: {  	s26 =	simm.s32 $execute0_lowered;
	[smem:$0x3FD2] =	sst s25  }
0xa6: {  	s4 =	sshll.u32 s26, $0x1;
	_ =	strace $0x80000046;
	[dreg:$0x1] =	wrdreg $0xFFFFFFFF  }
0xa7: {  	s28 =	simm.s32 $_size_execute0_lowered;
	s2 =	sadd.s32 s2, s4;
	[dreg:$0x0] =	wrdreg $0x0  }
0xa8: {  	s4 =	sshll.u32 s28, $0x1;
	[dreg:$0x2] =	wrdreg s2  }
0xa9: {  	[dreg:$0x3] =	wrdreg s4  }
0xaa: {  	[dreg:$0x4] =	wrdreg $0xC0  }
0xab: {  	_ =	task [dreg:s6], $0x5FFFF  }
0xac: {  	[dreg:$0x1] =	wrdreg $0xFFFFFFFF  }
0xad: {  	[dreg:$0x0] =	wrdreg $0x60  }
0xae: {  	[dreg:$0x2] =	wrdreg s24  }
0xaf: {  	[dreg:$0x3] =	wrdreg $0xA  }
0xb0: {  	_ =	task.clear_ibuf [dreg:s6], $0x4FFFF;
	_ =	strace $0x90000046  }
0xb1: {  	s29 =	simm.s32 $0xA;
	_ =	strace $0x80000048  }
0xb2: {  	_ =	swait.ge [sflag:s29], $0x1  }
0xb3: {  	[sflag:s29] =	ssyncadd.s32 $0xFFFFFFFF  }
0xb4: {  	_ =	strace $0x90000048  }
0xb5: {  	_ =	sfence  }
0xb6: {  	s30 =	sld [smem:$0x0];
	_ =	sdelay $0x2  }
0xb7: {  	s31 =	sshll.u32 s1, $0xD;
	s1 =	sshrl.u32 s1, $0x2  }
0xb8: {  	s3 =	sand.u32 $0x4000, s31;
	s1 =	sadd.s32 s1, s30  }
0xb9: {  	s0 =	sor.u32 s3, s0;
	s1 =	sshll.u32 s1, $0x11  }
0xba: {  	s0 =	sor.u32 s1, s0  }
0xbb: {  	s0 =	sadd.s32 $0x8F2B, s0  }
0xbc: {  	[sflag:s0] =	ssyncadd.remote.s32 $0x1  }
0xbd: {  	_ =	sfence.sel $0xFFFF  }
0xbe: {  	[dreg:$0x0] =	wrdreg $0xFFFFFFFF;
	(pc) =	sbr.abs _section_cstart, $3  }
0xbf: {  	[dreg:$0x1] =	wrdreg $0xFFFFFFFF  }
0xc0: {  	_ =	task.clear_ibuf [dreg:s6], $0x2FFFF;
	_ =	strace $0x9FFFFFFF  }
0xc1: {  	(tm) =	ssettm $0x7FFFFFFF  }
tec
execute0_lowered:
.L_overlay_start_1:
0x0: {  	(tag) =	ssettag $0x1  }
0x1: {  	s1 =	srdreg.scid  }
0x2: {  	s0 =	stileid.u32;
	s4 =	rddreg [dreg:$0x0]  }
0x3: {  	s2 =	simm.s32 $0x0;
	s10 =	simm.s32 $0x80;
	s11 =	simm.s32 $0x8100  }
0x4: {  	s12 =	simm.s32 $0xC100;
	s13 =	simm.s32 $0x1;
	s14 =	simm.s32 $0x2  }
0x5: {  	s15 =	simm.s32 $0x10100;
	s5 =	sand.u32 $0x1, s1;
	s1 =	rddreg [dreg:$0x1]  }
0x6: {  	s16 =	simm.s32 $0x0;
	s3 =	sshll.u32 s0, $0x1;
	[smem:$0x7FF] =	sst s2  }
0x7: {  	s6 =	sor.u32 s5, s3;
	_ =	strace $0x80000047;
	s5 =	ssub.s32 $0x2, s5  }
0x8: {  	s3 =	sshll.u32 s6, $0xC;
	s8 =	sshll.u32 s6, $0x5;
	s6 =	sshll.u32 s6, $0x4  }
0x9: {  	s9 =	sshrl.u32 s5, $0x1;
	s7 =	sadd.s32 s3, s4;
	s3 =	sadd.s32 $0x40A00, s4  }
0xa: {  	s8 =	sadd.s32 s8, s4;
	s6 =	sadd.s32 s6, s4;
	s9 =	ssub.s32 s5, s9  }
0xb: {  	v0 =	vlaneseq.u32;
	s4 =	sadd.s32 $0x44A00, s8;
	s5 =	sadd.s32 $0x20A00, s7;
	s6 =	sadd.s32 $0x44E00, s6  }
0xc: {  	v1 =	vimm.f32 $0.0e+00;
	v2 =	vmul.u32 $0x80, v0;
	s7 =	smax.u32 s9, $0x1;
	s8 =	simm.s32 $0x3;
	s9 =	simm.s32 $0x100  }
.LBB2_1:
0xd: {  	[tilespmem:s2], [sflag:$0x3] =	stream.linear.gather [hbm4b:s4+s2], $0x100, $0x38;
	[tilespmem:$0x10180] =	vst v63  }
0xe: {  	_ =	swait.ge [sflag:s8], $0x100  }
0xf: {  	[sflag:s8] =	ssyncset.done $0x0  }
0x10: {  	[sflag:s8] =	ssyncadd.s32 $0xFFFFFF00  }
0x11: {  	[tilespmem:s9], [sflag:$0x3] =	stream.linear.gather [hbm4b:s5+s2], $0x8000, $0x38;
	[tilespmem:$0x10180] =	vst v63  }
0x12: {  	_ =	swait.ge [sflag:s8], $0x8000  }
0x13: {  	[sflag:s8] =	ssyncset.done $0x0  }
0x14: {  	[sflag:s8] =	ssyncadd.s32 $0xFFFF8000  }
0x15: {  	[tilespmem:$0x10100] =	vst v1  }
0x16: {  	[tilespmem:s11], [sflag:$0x1] =	stream.indirect.gather [hbm4b:s3+s10], $0x80, s2, s10, $0xb8;
	[tilespmem:$0x10180] =	vst v63  }
0x17: {  	_ = 	snop  }
0x18: {  	[tilespmem:s12], [sflag:$0x2] =	stream.indirect.gather [hbm4b:s3+s10], $0x80, s10, s10, $0xb8;
	[tilespmem:$0x10180] =	vst v63  }
0x19: {  	_ =	swait.ge [sflag:s13], $0x4000  }
0x1a: {  	[sflag:s13] =	ssyncset.done $0x0  }
0x1b: {  	s17 =	simm.s32 $0x0;
	[sflag:s13] =	ssyncadd.s32 $0xFFFFC000  }
.LBB2_2:
0x1c: {  	s18 =	sshll.u32 s17, $0x4  }
0x1d: {  	s28 =	simm.s32 $0x0;
	v3 =	vmov s18  }
0x1e: {  	v10 =	vadd.s32 s28, v0;
	v3 =	vshll.u32 v3, $0x7  }
0x1f: {  	s29 =	simm.s32 $0x1;
	v11 =	vand.u32 $0xF, v10;
	v3 =	vor.u32 v2, v3  }
0x20: {  	v20 =	vadd.s32 s29, v0;
	v12 =	vor.u32 v3, v11  }
0x21: {  	v20 =	vand.u32 $0xF, v20  }
0x22: {  	v21 =	vor.u32 v3, v20  }
0x23: {  	v4 =	vor.u32 $0x10, v3  }
0x24: {  	v5 =	vor.u32 $0x60, v3;
	v9 =	vor.u32 v4, v10  }
0x25: {  	v6 =	vor.u32 $0x20, v3;
	v13 =	vor.u32 v5, v11;
	v18 =	vld.idx.msk [tilespmem:v12+s9+$0x0], $0xffff  }
0x26: {  	v7 =	vor.u32 $0x70, v3;
	v14 =	vor.u32 v6, v11;
	v12 =	vld.idx.msk [tilespmem:v12+s11+$0x0], $0xffff  }
0x27: {  	v8 =	vor.u32 $0x30, v3;
	v15 =	vor.u32 v7, v10;
	v29 =	vld.idx.msk [tilespmem:v21+s11+$0x0], $0xffff  }
0x28: {  	v17 =	vor.u32 v8, v10;
	v21 =	vld.idx.msk [tilespmem:v21+s9+$0x0], $0xffff  }
0x29: {  	v23 =	vor.u32 v4, v20;
	v16 =	vld.idx.msk [tilespmem:v9+s11+$0x0], $0xffff  }
0x2a: {  	v25 =	vor.u32 v7, v20;
	v13 =	vld.idx.msk [tilespmem:v13+s11+$0x0], $0xffff  }
0x2b: {  	v26 =	vor.u32 v8, v20;
	v14 =	vld.idx.msk [tilespmem:v14+s11+$0x0], $0xffff  }
0x2c: {  	v9 =	vor.u32 $0x50, v3;
	v15 =	vld.idx.msk [tilespmem:v15+s11+$0x0], $0xffff  }
0x2d: {  	v17 =	vld.idx.msk [tilespmem:v17+s11+$0x0], $0xffff;
	v19 =	vor.u32 v9, v10;
	v10 =	vor.u32 $0x40, v3  }
0x2e: {  	v24 =	vor.u32 v6, v20;
	v23 =	vld.idx.msk [tilespmem:v23+s11+$0x0], $0xffff;
	v11 =	vor.u32 v10, v11  }
0x2f: {  	v28 =	vor.u32 v5, v20;
	v25 =	vld.idx.msk [tilespmem:v25+s11+$0x0], $0xffff;
	v27 =	vor.u32 v9, v20;
	v12 =	vsub.f32 v18, v12  }
0x30: {  	v26 =	vld.idx.msk [tilespmem:v26+s11+$0x0], $0xffff;
	v20 =	vor.u32 v10, v20;
	v29 =	vsub.f32 v21, v29;
	v16 =	vsub.f32 v18, v16  }
0x31: {  	v14 =	vsub.f32 v18, v14;
	v13 =	vsub.f32 v18, v13  }
0x32: {  	v22 =	vimm.f32 $0.0e+00;
	v15 =	vsub.f32 v18, v15;
	v17 =	vsub.f32 v18, v17;
	v19 =	vld.idx.msk [tilespmem:v19+s11+$0x0], $0xffff  }
0x33: {  	v42 =	vsub.f32 v21, v23;
	v12 =	vmul.f32 v12, v12;
	v29 =	vmul.f32 v29, v29;
	v11 =	vld.idx.msk [tilespmem:v11+s11+$0x0], $0xffff  }
0x34: {  	v25 =	vsub.f32 v21, v25;
	v16 =	vmul.f32 v16, v16;
	v14 =	vmul.f32 v14, v14  }
0x35: {  	s30 =	simm.s32 $0x2;
	v48 =	vsub.f32 v21, v26;
	v13 =	vmul.f32 v13, v13;
	v15 =	vmul.f32 v15, v15;
	v20 =	vld.idx.msk [tilespmem:v20+s11+$0x0], $0xffff  }
0x36: {  	v30 =	vadd.f32 v14, v22;
	v14 =	vmul.f32 v17, v17;
	v17 =	vld.idx.msk [tilespmem:v24+s11+$0x0], $0xffff;
	v24 =	vadd.s32 s30, v0  }
0x37: {  	v36 =	vadd.f32 v16, v22;
	v38 =	vor.u32 v7, v24;
	v16 =	vsub.f32 v18, v19;
	v19 =	vld.idx.msk [tilespmem:v27+s11+$0x0], $0xffff  }
0x38: {  	v27 =	vand.u32 $0xF, v24;
	v11 =	vsub.f32 v18, v11;
	v18 =	vld.idx.msk [tilespmem:v28+s11+$0x0], $0xffff;
	v28 =	vor.u32 v4, v24  }
0x39: {  	v26 =	vmul.f32 v25, v25;
	v63 =	vmul.f32 v42, v42;
	v31 =	vor.u32 v3, v27  }
0x3a: {  	v12 =	vadd.f32 v12, v22;
	v37 =	vadd.f32 v15, v22;
	v35 =	vor.u32 v9, v24  }
0x3b: {  	v32 =	vor.u32 v6, v27;
	v34 =	vor.u32 v10, v27;
	v27 =	vor.u32 v5, v27  }
0x3c: {  	v15 =	vadd.f32 v14, v22;
	v36 =	vadd.f32 v63, v36;
	v16 =	vmul.f32 v16, v16;
	v50 =	vld.idx.msk [tilespmem:v38+s11+$0x0], $0xffff  }
0x3d: {  	s31 =	simm.s32 $0x3;
	v24 =	vor.u32 v8, v24;
	v20 =	vsub.f32 v21, v20;
	v39 =	vmul.f32 v11, v11;
	v41 =	vld.idx.msk [tilespmem:v28+s11+$0x0], $0xffff  }
0x3e: {  	v33 =	vadd.f32 v16, v22;
	v16 =	vadd.f32 v13, v22;
	v13 =	vadd.s32 s31, v0;
	v11 =	vld.idx.msk [tilespmem:v31+s9+$0x0], $0xffff  }
0x3f: {  	v40 =	vsub.f32 v21, v19;
	v23 =	vand.u32 $0xF, v13;
	v13 =	vsub.f32 v21, v17;
	v43 =	vld.idx.msk [tilespmem:v31+s11+$0x0], $0xffff  }
0x40: {  	v62 =	vadd.f32 v39, v22;
	v17 =	vsub.f32 v21, v18;
	v44 =	vor.u32 v3, v23;
	v45 =	vld.idx.msk [tilespmem:v27+s11+$0x0], $0xffff  }
0x41: {  	v18 =	vor.u32 v4, v23;
	v46 =	vor.u32 v6, v23;
	v47 =	vld.idx.msk [tilespmem:v32+s11+$0x0], $0xffff;
	v49 =	vor.u32 v9, v23  }
0x42: {  	v19 =	vor.u32 v7, v23;
	v14 =	vor.u32 v8, v23;
	v27 =	vld.idx.msk [tilespmem:v24+s11+$0x0], $0xffff;
	v31 =	vmul.f32 v13, v13  }
0x43: {  	v28 =	vor.u32 v5, v23;
	v13 =	vor.u32 v10, v23;
	v23 =	vld.idx.msk [tilespmem:v34+s11+$0x0], $0xffff;
	v22 =	vmul.f32 v40, v40  }
0x44: {  	v21 =	vadd.f32 v26, v37;
	v25 =	vadd.f32 v31, v30;
	v31 =	vld.idx.msk [tilespmem:v35+s11+$0x0], $0xffff  }
0x45: {  	v30 =	vadd.f32 v29, v12;
	v12 =	vmul.f32 v20, v20;
	v26 =	vadd.f32 v22, v33;
	v24 =	vld.idx.msk [tilespmem:v44+s11+$0x0], $0xffff  }
0x46: {  	v32 =	vmul.f32 v17, v17;
	v29 =	vsub.f32 v11, v45;
	v17 =	vsub.f32 v11, v43;
	v22 =	vld.idx.msk [tilespmem:v49+s11+$0x0], $0xffff  }
0x47: {  	v33 =	vmul.f32 v48, v48;
	v12 =	vadd.f32 v12, v62;
	v38 =	vsub.f32 v11, v41;
	v20 =	vld.idx.msk [tilespmem:v46+s11+$0x0], $0xffff  }
0x48: {  	s18 =	simm.s32 $0x4;
	v35 =	vsub.f32 v11, v47;
	v34 =	vsub.f32 v11, v50;
	v37 =	vmul.f32 v17, v17;
	v17 =	vld.idx.msk [tilespmem:v44+s9+$0x0], $0xffff  }
.LBB2_3:
0x49: {  	p0 =	sne.s32 s18, $0xE;
	v38 =	vmul.f32 v38, v38;
	v27 =	vsub.f32 v11, v27;
	v28 =	vld.idx.msk [tilespmem:v28+s11+$0x0], $0xffff;
	v16 =	vadd.f32 v32, v16;
	s19 =	smov.u32 s18;
	s18 =	sadd.s32 $0x2, s18  }
0x4a: {  	v32 =	vmul.f32 v35, v35;
	v15 =	vadd.f32 v33, v15;
	v30 =	vadd.f32 v37, v30;
	v18 =	vld.idx.msk [tilespmem:v18+s11+$0x0], $0xffff  }
0x4b: {  	v29 =	vmul.f32 v29, v29;
	v31 =	vsub.f32 v11, v31;
	v36 =	vadd.f32 v38, v36;
	v19 =	vld.idx.msk [tilespmem:v19+s11+$0x0], $0xffff  }
0x4c: {  	v25 =	vadd.f32 v32, v25;
	v27 =	vmul.f32 v27, v27;
	v32 =	vmul.f32 v34, v34  }
0x4d: {  	v33 =	vadd.s32 s19, v0;
	v11 =	vsub.f32 v11, v23;
	v23 =	vmul.f32 v31, v31  }
0x4e: {  	v34 =	vor.u32 v4, v33;
	v31 =	vand.u32 $0xF, v33;
	v24 =	vsub.f32 v17, v24  }
0x4f: {  	v35 =	vor.u32 v3, v31;
	v37 =	vor.u32 v6, v31;
	v26 =	vadd.f32 v23, v26  }
0x50: {  	v38 =	vor.u32 v9, v33;
	v21 =	vadd.f32 v32, v21;
	v23 =	vor.u32 v10, v31  }
0x51: {  	v39 =	vmul.f32 v11, v11;
	v32 =	vor.u32 v7, v33;
	v31 =	vor.u32 v5, v31;
	v40 =	vld.idx.msk [tilespmem:v14+s11+$0x0], $0xffff  }
0x52: {  	s19 =	sadd.s32 $0x1, s19;
	v16 =	vadd.f32 v29, v16;
	v33 =	vor.u32 v8, v33;
	v22 =	vsub.f32 v17, v22;
	v29 =	vld.idx.msk [tilespmem:v13+s11+$0x0], $0xffff  }
0x53: {  	v15 =	vadd.f32 v27, v15;
	v41 =	vsub.f32 v17, v18;
	v13 =	vadd.s32 s19, v0;
	v34 =	vld.idx.msk [tilespmem:v34+s11+$0x0], $0xffff  }
0x54: {  	v42 =	vand.u32 $0xF, v13;
	v13 =	vsub.f32 v17, v20;
	v20 =	vsub.f32 v17, v28;
	v11 =	vld.idx.msk [tilespmem:v35+s9+$0x0], $0xffff  }
0x55: {  	v44 =	vsub.f32 v17, v19;
	v43 =	vor.u32 v3, v42;
	v18 =	vor.u32 v4, v42;
	v35 =	vld.idx.msk [tilespmem:v35+s11+$0x0], $0xffff  }
0x56: {  	v46 =	vor.u32 v6, v42;
	v19 =	vor.u32 v7, v42;
	v45 =	vld.idx.msk [tilespmem:v31+s11+$0x0], $0xffff;
	v31 =	vmul.f32 v13, v13  }
0x57: {  	v14 =	vor.u32 v8, v42;
	v13 =	vor.u32 v10, v42;
	v40 =	vsub.f32 v17, v40;
	v37 =	vld.idx.msk [tilespmem:v37+s11+$0x0], $0xffff  }
0x58: {  	v47 =	vor.u32 v9, v42;
	v28 =	vor.u32 v5, v42;
	v27 =	vld.idx.msk [tilespmem:v33+s11+$0x0], $0xffff;
	v33 =	vmul.f32 v44, v44  }
0x59: {  	v17 =	vsub.f32 v17, v29;
	v44 =	vmul.f32 v24, v24;
	v25 =	vadd.f32 v31, v25;
	v42 =	vld.idx.msk [tilespmem:v32+s11+$0x0], $0xffff  }
0x5a: {  	v12 =	vadd.f32 v39, v12;
	v22 =	vmul.f32 v22, v22;
	v32 =	vmul.f32 v20, v20;
	v23 =	vld.idx.msk [tilespmem:v23+s11+$0x0], $0xffff  }
.Ltmp0:
0x5b: {  	v17 =	vmul.f32 v17, v17;
	v30 =	vadd.f32 v44, v30;
	v21 =	vadd.f32 v33, v21;
	v24 =	vld.idx.msk [tilespmem:v43+s11+$0x0], $0xffff;
	(pc) =	sbr.rel @p0 .LBB2_3-.Ltmp0, $4  }
0x5c: {  	v26 =	vadd.f32 v22, v26;
	v33 =	vmul.f32 v40, v40;
	v29 =	vsub.f32 v11, v45;
	v31 =	vld.idx.msk [tilespmem:v38+s11+$0x0], $0xffff  }
0x5d: {  	v39 =	vsub.f32 v11, v35;
	v40 =	vmul.f32 v41, v41;
	v12 =	vadd.f32 v17, v12;
	v22 =	vld.idx.msk [tilespmem:v47+s11+$0x0], $0xffff  }
0x5e: {  	v38 =	vsub.f32 v11, v34;
	v35 =	vsub.f32 v11, v37;
	v20 =	vld.idx.msk [tilespmem:v46+s11+$0x0], $0xffff  }
0x5f: {  	v37 =	vmul.f32 v39, v39;
	v36 =	vadd.f32 v40, v36;
	v34 =	vsub.f32 v11, v42;
	v17 =	vld.idx.msk [tilespmem:v43+s9+$0x0], $0xffff  }
0x60: {  	_ =	sdelay $0x1  }
0x61: {  	v3 =	vmul.f32 v38, v38;
	v4 =	vsub.f32 v11, v27  }
0x62: {  	v5 =	vadd.f32 v32, v16;
	v8 =	vmul.f32 v35, v35;
	v15 =	vadd.f32 v33, v15  }
0x63: {  	v10 =	vld.idx.msk [tilespmem:v18+s11+$0x0], $0xffff;
	v48 =	vmul.f32 v29, v29;
	v49 =	vsub.f32 v11, v23;
	v7 =	vadd.f32 v37, v30  }
0x64: {  	v6 =	vld.idx.msk [tilespmem:v28+s11+$0x0], $0xffff;
	v9 =	vsub.f32 v11, v31;
	v47 =	vmul.f32 v34, v34;
	v3 =	vadd.f32 v3, v36  }
0x65: {  	v14 =	vld.idx.msk [tilespmem:v14+s11+$0x0], $0xffff;
	v8 =	vadd.f32 v8, v25;
	v4 =	vmul.f32 v4, v4;
	v5 =	vadd.f32 v48, v5  }
0x66: {  	v13 =	vld.idx.msk [tilespmem:v13+s11+$0x0], $0xffff;
	v11 =	vmul.f32 v49, v49;
	v18 =	vadd.f32 v47, v21;
	v50 =	vsub.f32 v17, v24  }
0x67: {  	v9 =	vmul.f32 v9, v9;
	v51 =	vsub.f32 v17, v22;
	v4 =	vadd.f32 v4, v15  }
0x68: {  	v46 =	vld.idx.msk [tilespmem:v19+s11+$0x0], $0xffff;
	v52 =	vsub.f32 v17, v20;
	v10 =	vsub.f32 v17, v10  }
0x69: {  	v54 =	vadd.f32 v11, v12;
	v9 =	vadd.f32 v9, v26  }
0x6a: {  	v14 =	vsub.f32 v17, v14;
	v53 =	vmul.f32 v50, v50;
	v10 =	vmul.f32 v10, v10  }
0x6b: {  	v6 =	vsub.f32 v17, v6;
	v13 =	vsub.f32 v17, v13;
	v15 =	vmul.f32 v52, v52  }
0x6c: {  	v14 =	vmul.f32 v14, v14;
	v7 =	vadd.f32 v53, v7;
	v3 =	vadd.f32 v10, v3  }
0x6d: {  	v16 =	vsub.f32 v17, v46;
	v55 =	vmul.f32 v13, v13;
	v8 =	vadd.f32 v15, v8  }
0x6e: {  	v56 =	vmul.f32 v51, v51;
	v4 =	vadd.f32 v14, v4;
	v3 =	vmin.f32 v7, v3  }
0x6f: {  	v6 =	vmul.f32 v6, v6;
	v57 =	vadd.f32 v55, v54;
	v3 =	vmin.f32 v3, v8  }
0x70: {  	v58 =	vmul.f32 v16, v16;
	v9 =	vadd.f32 v56, v9;
	v3 =	vmin.f32 v3, v4  }
0x71: {  	v59 =	vadd.f32 v6, v5;
	v3 =	vmin.f32 v3, v57  }
0x72: {  	v60 =	vadd.f32 v58, v18;
	v3 =	vmin.f32 v3, v9  }
0x73: {  	v3 =	vmin.f32 v3, v59  }
0x74: {  	v3 =	vmin.f32 v3, v60  }
0x75: {  	v61 =	vshra.s32 v3, $0x1;
	v5 =	vmul.f32 $5.000000000e-01, v3  }
0x76: {  	v4 =	vsub.s32 $0x5F3759DF, v61  }
0x77: {  	v62 =	vmul.f32 v4, v5;
	_ =	sdelay $0x1  }
0x78: {  	v6 =	vmul.f32 v4, v62;
	_ =	sdelay $0x1  }
0x79: {  	v6 =	vsub.f32 $1.500000000e+00, v6;
	_ =	sdelay $0x1  }
0x7a: {  	v4 =	vmul.f32 v4, v6;
	_ =	sdelay $0x1  }
0x7b: {  	v6 =	vmul.f32 v4, v5;
	_ =	sdelay $0x1  }
0x7c: {  	v6 =	vmul.f32 v6, v4;
	_ =	sdelay $0x1  }
0x7d: {  	v6 =	vsub.f32 $1.500000000e+00, v6;
	_ =	sdelay $0x1  }
0x7e: {  	v4 =	vmul.f32 v6, v4;
	_ =	sdelay $0x1  }
0x7f: {  	v5 =	vmul.f32 v4, v5;
	_ =	sdelay $0x1  }
0x80: {  	v5 =	vmul.f32 v5, v4;
	_ =	sdelay $0x1  }
0x81: {  	v5 =	vsub.f32 $1.500000000e+00, v5  }
0x82: {  	v63 =	vld [tilespmem:$0x10100]  }
0x83: {  	s17 =	sadd.s32 $0x1, s17;
	v4 =	vmul.f32 v5, v4  }
0x84: {  	p0 =	sne.s32 s17, $0x8  }
.Ltmp1:
0x85: {  	v3 =	vmul.f32 v4, v3;
	(pc) =	sbr.rel @p0 .LBB2_2-.Ltmp1, $3  }
0x86: {  	_ = 	snop  }
0x87: {  	v3 =	vadd.f32 v63, v3;
	_ =	sdelay $0x1  }
0x88: {  	[tilespmem:$0x10100] =	vst v3  }
0x89: {  	_ =	swait.ge [sflag:s14], $0x4000  }
0x8a: {  	[sflag:s14] =	ssyncset.done $0x0  }
0x8b: {  	s17 =	simm.s32 $0x0;
	s18 =	simm.s32 $0x0;
	[sflag:s14] =	ssyncadd.s32 $0xFFFFC000  }
.LBB2_6:
0x8c: {  	s19 =	sshll.u32 s18, $0x4  }
0x8d: {  	v3 =	vmov s19  }
0x8e: {  	v3 =	vshll.u32 v3, $0x7  }
0x8f: {  	v12 =	vadd.s32 s17, v0;
	s19 =	sor.u32 $0x80, s19;
	v11 =	vor.u32 v2, v3  }
0x90: {  	v10 =	vand.u32 $0xF, v12;
	v4 =	vmov s19;
	v3 =	vadd.s32 $0x4010, v11  }
0x91: {  	v5 =	vshll.u32 v4, $0x7;
	v4 =	vadd.s32 $0x4000, v11;
	v13 =	vor.u32 v12, v3  }
0x92: {  	v5 =	vor.u32 v2, v5;
	v14 =	vor.u32 v4, v10  }
0x93: {  	v6 =	vadd.s32 $0x4020, v11;
	v15 =	vor.u32 v5, v10  }
0x94: {  	v7 =	vadd.s32 $0x4060, v11;
	v16 =	vor.u32 v10, v6  }
0x95: {  	s31 =	simm.s32 $0x1;
	v8 =	vadd.s32 $0x4030, v11;
	v17 =	vor.u32 v10, v7  }
0x96: {  	v18 =	vadd.s32 s31, v0;
	v9 =	vadd.s32 $0x4040, v11;
	v19 =	vor.u32 v12, v8;
	v13 =	vld.idx.msk [tilespmem:v13+s11+$0x0], $0xffff  }
0x97: {  	v18 =	vand.u32 $0xF, v18;
	v20 =	vor.u32 v10, v9;
	v14 =	vld.idx.msk [tilespmem:v14+s11+$0x0], $0xffff  }
0x98: {  	v22 =	vor.u32 v18, v3;
	v15 =	vld.idx.msk [tilespmem:v15+s9+$0x0], $0xffff  }
0x99: {  	v10 =	vadd.s32 $0x4070, v11;
	v11 =	vadd.s32 $0x4050, v11;
	v27 =	vor.u32 v18, v8;
	v24 =	vld.idx.msk [tilespmem:v16+s11+$0x0], $0xffff  }
0x9a: {  	v23 =	vor.u32 v12, v10;
	v12 =	vor.u32 v12, v11;
	v26 =	vld.idx.msk [tilespmem:v17+s11+$0x0], $0xffff  }
0x9b: {  	v31 =	vimm.f32 $0.0e+00;
	v29 =	vld.idx.msk [tilespmem:v19+s11+$0x0], $0xffff  }
0x9c: {  	v32 =	vimm.f32 $0.0e+00;
	v38 =	vor.u32 v5, v18;
	v39 =	vor.u32 v18, v9;
	v25 =	vld.idx.msk [tilespmem:v20+s11+$0x0], $0xffff  }
0x9d: {  	v21 =	vor.u32 v18, v10;
	v28 =	vor.u32 v18, v11;
	v16 =	vor.u32 v18, v6;
	v19 =	vld.idx.msk [tilespmem:v22+s11+$0x0], $0xffff  }
0x9e: {  	v17 =	vor.u32 v18, v7;
	v27 =	vld.idx.msk [tilespmem:v27+s11+$0x0], $0xffff;
	v22 =	vimm.f32 $0.0e+00;
	v20 =	vsub.f32 v15, v14  }
0x9f: {  	v30 =	vld.idx.msk [tilespmem:v12+s11+$0x0], $0xffff;
	v12 =	vimm.f32 $0.0e+00;
	v13 =	vsub.f32 v15, v13;
	v37 =	vsub.f32 v15, v24  }
0xa0: {  	v23 =	vld.idx.msk [tilespmem:v23+s11+$0x0], $0xffff;
	v14 =	vor.u32 v4, v18;
	v35 =	vsub.f32 v15, v29;
	v34 =	vsub.f32 v15, v26  }
0xa1: {  	v29 =	vimm.f32 $0.0e+00;
	v24 =	vimm.f32 $0.0e+00;
	v18 =	vld.idx.msk [tilespmem:v39+s11+$0x0], $0xffff;
	v36 =	vmul.f32 v20, v20  }
0xa2: {  	s19 =	simm.s32 $0x2;
	v26 =	vimm.f32 $0.0e+00;
	v33 =	vmul.f32 v13, v13;
	v13 =	vld.idx.msk [tilespmem:v38+s9+$0x0], $0xffff;
	v20 =	vimm.f32 $0.0e+00  }
.LBB2_7:
0xa3: {  	p0 =	sne.s32 s19, $0xE;
	v31 =	vadd.f32 v36, v31;
	v36 =	vmul.f32 v37, v37;
	v25 =	vsub.f32 v15, v25;
	s20 =	smov.u32 s19;
	s19 =	sadd.s32 $0x2, s19  }
0xa4: {  	s21 =	sadd.s32 $0x1, s20;
	v32 =	vadd.f32 v33, v32;
	v33 =	vmul.f32 v35, v35;
	v34 =	vmul.f32 v34, v34;
	v21 =	vld.idx.msk [tilespmem:v21+s11+$0x0], $0xffff  }
0xa5: {  	v30 =	vsub.f32 v15, v30;
	v35 =	vadd.s32 s21, v0;
	v29 =	vadd.f32 v36, v29;
	v28 =	vld.idx.msk [tilespmem:v28+s11+$0x0], $0xffff  }
0xa6: {  	v15 =	vsub.f32 v15, v23;
	v25 =	vmul.f32 v25, v25;
	v20 =	vadd.f32 v33, v20;
	v16 =	vld.idx.msk [tilespmem:v16+s11+$0x0], $0xffff  }
0xa7: {  	v23 =	vmul.f32 v30, v30;
	v24 =	vadd.f32 v34, v24;
	v27 =	vsub.f32 v13, v27;
	v17 =	vld.idx.msk [tilespmem:v17+s11+$0x0], $0xffff  }
0xa8: {  	v30 =	vadd.s32 s20, v0;
	v33 =	vsub.f32 v13, v19;
	v26 =	vadd.f32 v25, v26  }
0xa9: {  	v19 =	vand.u32 $0xF, v30;
	v25 =	vor.u32 v30, v3;
	v27 =	vmul.f32 v27, v27  }
0xaa: {  	v34 =	vor.u32 v5, v19;
	v36 =	vor.u32 v4, v19;
	v37 =	vsub.f32 v13, v21  }
0xab: {  	v38 =	vor.u32 v19, v9;
	v21 =	vor.u32 v19, v6;
	v39 =	vsub.f32 v13, v28  }
0xac: {  	v40 =	vor.u32 v30, v11;
	v22 =	vadd.f32 v23, v22;
	v19 =	vor.u32 v19, v7  }
0xad: {  	v23 =	vor.u32 v30, v8;
	v30 =	vor.u32 v30, v10;
	v28 =	vld.idx.msk [tilespmem:v14+s11+$0x0], $0xffff;
	v14 =	vsub.f32 v13, v16  }
0xae: {  	v35 =	vand.u32 $0xF, v35;
	v42 =	vmul.f32 v15, v15;
	v41 =	vld.idx.msk [tilespmem:v25+s11+$0x0], $0xffff;
	v25 =	vsub.f32 v13, v17  }
0xaf: {  	v43 =	vor.u32 v5, v35;
	v44 =	vor.u32 v35, v3;
	v20 =	vadd.f32 v27, v20;
	v36 =	vld.idx.msk [tilespmem:v36+s11+$0x0], $0xffff  }
0xb0: {  	v16 =	vor.u32 v35, v6;
	v27 =	vmul.f32 v14, v14;
	v45 =	vld.idx.msk [tilespmem:v21+s11+$0x0], $0xffff;
	v21 =	vor.u32 v35, v10  }
0xb1: {  	v18 =	vsub.f32 v13, v18;
	v17 =	vor.u32 v35, v7;
	v14 =	vor.u32 v4, v35;
	v15 =	vld.idx.msk [tilespmem:v34+s9+$0x0], $0xffff  }
0xb2: {  	v46 =	vor.u32 v35, v8;
	v47 =	vor.u32 v35, v9;
	v34 =	vld.idx.msk [tilespmem:v19+s11+$0x0], $0xffff;
	v19 =	vmul.f32 v25, v25  }
0xb3: {  	v12 =	vadd.f32 v42, v12;
	v37 =	vmul.f32 v37, v37;
	v13 =	vsub.f32 v13, v28;
	v25 =	vld.idx.msk [tilespmem:v38+s11+$0x0], $0xffff  }
0xb4: {  	v18 =	vmul.f32 v18, v18;
	v29 =	vadd.f32 v27, v29;
	v38 =	vld.idx.msk [tilespmem:v23+s11+$0x0], $0xffff;
	v24 =	vadd.f32 v19, v24  }
0xb5: {  	v12 =	vadd.f32 v37, v12;
	v27 =	vmul.f32 v33, v33;
	v28 =	vor.u32 v35, v11;
	v19 =	vld.idx.msk [tilespmem:v44+s11+$0x0], $0xffff  }
.Ltmp2:
0xb6: {  	v26 =	vadd.f32 v18, v26;
	v18 =	vmul.f32 v39, v39;
	v13 =	vmul.f32 v13, v13;
	v23 =	vld.idx.msk [tilespmem:v30+s11+$0x0], $0xffff;
	(pc) =	sbr.rel @p0 .LBB2_7-.Ltmp2, $4  }
0xb7: {  	v32 =	vadd.f32 v27, v32;
	v33 =	vsub.f32 v15, v36;
	v30 =	vld.idx.msk [tilespmem:v40+s11+$0x0], $0xffff  }
0xb8: {  	v35 =	vsub.f32 v15, v41;
	v31 =	vadd.f32 v13, v31;
	v27 =	vld.idx.msk [tilespmem:v46+s11+$0x0], $0xffff  }
0xb9: {  	v22 =	vadd.f32 v18, v22;
	v37 =	vsub.f32 v15, v45;
	v36 =	vmul.f32 v33, v33;
	v13 =	vld.idx.msk [tilespmem:v43+s9+$0x0], $0xffff  }
0xba: {  	v34 =	vsub.f32 v15, v34;
	v33 =	vmul.f32 v35, v35;
	v35 =	vsub.f32 v15, v38;
	v18 =	vld.idx.msk [tilespmem:v47+s11+$0x0], $0xffff  }
0xbb: {  	_ =	sdelay $0x2  }
0xbc: {  	v4 =	vadd.f32 v36, v31;
	v5 =	vmul.f32 v37, v37  }
0xbd: {  	v7 =	vsub.f32 v15, v25;
	v10 =	vld.idx.msk [tilespmem:v14+s11+$0x0], $0xffff;
	v53 =	vsub.f32 v15, v23;
	v9 =	vmul.f32 v35, v35  }
0xbe: {  	v16 =	vld.idx.msk [tilespmem:v16+s11+$0x0], $0xffff;
	v8 =	vadd.f32 v33, v32;
	v11 =	vmul.f32 v34, v34;
	v52 =	vsub.f32 v15, v30  }
0xbf: {  	v3 =	vld.idx.msk [tilespmem:v21+s11+$0x0], $0xffff;
	v5 =	vadd.f32 v5, v29;
	v7 =	vmul.f32 v7, v7;
	v9 =	vadd.f32 v9, v20  }
0xc0: {  	v6 =	vld.idx.msk [tilespmem:v28+s11+$0x0], $0xffff;
	v11 =	vadd.f32 v11, v24;
	v54 =	vsub.f32 v13, v27  }
0xc1: {  	v15 =	vmul.f32 v53, v53;
	v19 =	vsub.f32 v13, v19;
	v7 =	vadd.f32 v7, v26  }
0xc2: {  	v17 =	vld.idx.msk [tilespmem:v17+s11+$0x0], $0xffff;
	v55 =	vsub.f32 v13, v18;
	v10 =	vsub.f32 v13, v10  }
0xc3: {  	v14 =	vmul.f32 v52, v52;
	v58 =	vadd.f32 v15, v12;
	v16 =	vsub.f32 v13, v16  }
0xc4: {  	v3 =	vsub.f32 v13, v3;
	v19 =	vmul.f32 v19, v19;
	v10 =	vmul.f32 v10, v10  }
0xc5: {  	v6 =	vsub.f32 v13, v6;
	v14 =	vadd.f32 v14, v22;
	v16 =	vmul.f32 v16, v16  }
0xc6: {  	v20 =	vmul.f32 v54, v54;
	v8 =	vadd.f32 v19, v8;
	v4 =	vadd.f32 v10, v4  }
0xc7: {  	v17 =	vsub.f32 v13, v17;
	v56 =	vmul.f32 v55, v55;
	v5 =	vadd.f32 v16, v5  }
0xc8: {  	v9 =	vadd.f32 v20, v9;
	v6 =	vmul.f32 v6, v6;
	v4 =	vmin.f32 v4, v8  }
0xc9: {  	v57 =	vmul.f32 v17, v17;
	v7 =	vadd.f32 v56, v7;
	v4 =	vmin.f32 v4, v5  }
0xca: {  	v3 =	vmul.f32 v3, v3;
	v59 =	vadd.f32 v6, v14;
	v4 =	vmin.f32 v4, v9  }
0xcb: {  	v60 =	vadd.f32 v57, v11;
	v4 =	vmin.f32 v4, v7  }
0xcc: {  	v3 =	vadd.f32 v3, v58;
	v4 =	vmin.f32 v4, v59  }
0xcd: {  	v4 =	vmin.f32 v4, v60  }
0xce: {  	v3 =	vmin.f32 v4, v3  }
0xcf: {  	v4 =	vshra.s32 v3, $0x1;
	v61 =	vmul.f32 $5.000000000e-01, v3  }
0xd0: {  	v4 =	vsub.s32 $0x5F3759DF, v4  }
0xd1: {  	v62 =	vmul.f32 v4, v61;
	_ =	sdelay $0x1  }
0xd2: {  	v6 =	vmul.f32 v4, v62;
	_ =	sdelay $0x1  }
0xd3: {  	v6 =	vsub.f32 $1.500000000e+00, v6;
	_ =	sdelay $0x1  }
0xd4: {  	v4 =	vmul.f32 v4, v6;
	_ =	sdelay $0x1  }
0xd5: {  	v6 =	vmul.f32 v4, v61;
	_ =	sdelay $0x1  }
0xd6: {  	v6 =	vmul.f32 v6, v4;
	_ =	sdelay $0x1  }
0xd7: {  	v6 =	vsub.f32 $1.500000000e+00, v6;
	_ =	sdelay $0x1  }
0xd8: {  	v4 =	vmul.f32 v6, v4;
	_ =	sdelay $0x1  }
0xd9: {  	v5 =	vmul.f32 v4, v61;
	_ =	sdelay $0x1  }
0xda: {  	v5 =	vmul.f32 v5, v4;
	_ =	sdelay $0x1  }
0xdb: {  	v5 =	vsub.f32 $1.500000000e+00, v5  }
0xdc: {  	v63 =	vld [tilespmem:$0x10100]  }
0xdd: {  	s18 =	sadd.s32 $0x1, s18;
	v4 =	vmul.f32 v5, v4  }
0xde: {  	p0 =	sne.s32 s18, $0x8  }
.Ltmp3:
0xdf: {  	v3 =	vmul.f32 v4, v3;
	(pc) =	sbr.rel @p0 .LBB2_6-.Ltmp3, $3  }
0xe0: {  	_ = 	snop  }
0xe1: {  	v3 =	vadd.f32 v63, v3;
	_ =	sdelay $0x1  }
0xe2: {  	[tilespmem:$0x10100] =	vst v3  }
0xe3: {  	s16 =	sadd.s32 $0x1, s16  }
0xe4: {  	p0 =	sne.s32 s16, s7  }
.Ltmp4:
0xe5: {  	_ = 	snop;
	(pc) =	sbr.rel @p0 .LBB2_1-.Ltmp4, $4  }
0xe6: {  	[hbm4b:s6+s2] =	stream.linear.scatter [tilespmem:s15], [sflag:$0x3], $0x80, $0x38;
	[tilespmem:$0x10180] =	vst v63  }
0xe7: {  	_ =	swait.ge [sflag:s8], $0x80  }
0xe8: {  	[sflag:s8] =	ssyncset.done $0x0  }
0xe9: {  	[sflag:s8] =	ssyncadd.s32 $0xFFFFFF80  }
0xea: {  	_ =	sfence.sel $0x180000  }
0xeb: {  	[bflag:$0x0] =	sbarrier.arrive $0xFFFF  }
0xec: {  	p0 =	sne.s32 s0, $0x0;
	_ =	strace $0x90000047  }
0xed: {  	s0 =	sadd.s32 @!p0 $0x100000, s1;
	[bflag:$0x2] =	sbarrier.arrive $0xFFFF  }
0xee: {  	[sflag:s0] =	ssyncadd.tile.s32 @!p0 $0x1;
	_ =	shalt  }
.Lfunc_end2:
_tile_overlayer_lowered:
.L_overlay_start_2:
0xef: {  	(tag) =	ssettag $0x2  }
0xf0: {  	s0 =	rddreg [dreg:$0x0];
	s2 =	stileid.u32  }
0xf1: {  	s1 =	rddreg [dreg:$0x1];
	p0 =	sne.s32 s2, $0x0  }
0xf2: {  	s3 =	rddreg [dreg:$0x2];
	[bflag:$0x3] =	sbarrier.arrive $0xFFFF;
	s2 =	simm.s32 @!p0 $0x1C03  }
0xf3: {  	[timem:s3], [sflag:s2] =	dma.local @!p0 [hbm:s0], s1  }
0xf4: {  	s0 =	simm.s32 @!p0 $0x3  }
0xf5: {  	_ =	swait.ge @!p0 [sflag:s0], s1  }
0xf6: {  	s1 =	ssub.s32 @!p0 $0x0, s1;
	[sflag:s0] =	ssyncset.done @!p0 $0x0  }
0xf7: {  	[sflag:s0] =	ssyncadd.s32 @!p0 s1  }
0xf8: {  	[bflag:$0x3] =	sbarrier.arrive $0xFFFF  }
0xf9: {  	_ =	shalt  }

</sc_bundles>
